<compile_context>
chip_gen: v7x
topology: tpu7x:2x2x1
jax: 0.10.2.dev20260603
libtpu: 0.0.44.dev20260713+nightly
codegen_flags: <defaults>
</compile_context>

<pallas_src>
import functools

import jax
import jax.numpy as jnp
from jax import lax
from jax.experimental import pallas as pl
from jax.experimental.pallas import tpu as pltpu
from jax.experimental.pallas import tpu_sc as plsc

N = 320000
NUM_SEG = 10000
Q_SIZE = 128
K_SIZE = 128
HID = 64
D_V = 128

NSLICE = 1
NS = N // NSLICE


BLK = 6400
GRID1 = NS // BLK
EROWS = BLK // 128


def _tc_dense_body(q_ref, k_ref, v_ref, w_ref, u_ref, vw_ref, p_ref, e_ref):
    qw = jnp.dot(q_ref[...], w_ref[...], preferred_element_type=jnp.float32)
    ku = jnp.dot(k_ref[...], u_ref[...], preferred_element_type=jnp.float32)
    t = jnp.tanh(qw + ku)
    beta = jnp.sum(t * vw_ref[0:1, :], axis=1, keepdims=True)
    e = jnp.exp(beta)
    p_ref[...] = v_ref[...] * e
    e_ref[...] = jnp.reshape(e[:, 0], (1, EROWS, 128))


def _tc_dense(Q, K, V, W_w, U_w, vw8, s):
    off = s * GRID1
    return pl.pallas_call(
        _tc_dense_body,
        grid=(GRID1,),
        in_specs=[
            pl.BlockSpec((BLK, Q_SIZE), lambda i: (i + off, 0)),
            pl.BlockSpec((BLK, K_SIZE), lambda i: (i + off, 0)),
            pl.BlockSpec((BLK, D_V), lambda i: (i + off, 0)),
            pl.BlockSpec((Q_SIZE, HID), lambda i: (0, 0)),
            pl.BlockSpec((K_SIZE, HID), lambda i: (0, 0)),
            pl.BlockSpec((8, HID), lambda i: (0, 0)),
        ],
        out_specs=[
            pl.BlockSpec((BLK, D_V), lambda i: (i, 0)),
            pl.BlockSpec((1, EROWS, 128), lambda i: (i, 0, 0)),
        ],
        out_shape=[
            jax.ShapeDtypeStruct((NS, D_V), jnp.float32),
            jax.ShapeDtypeStruct((GRID1, EROWS, 128), jnp.float32),
        ],
    )(Q, K, V, W_w, U_w, vw8)



NCORE = 2
NSUB = 16
NW = NCORE * NSUB
CH = 128
NCHUNK = NS // CH
TOT = -(-NCHUNK // NW)
NBUF = 2
PREF = 1
LAG = NBUF - PREF
NROUND = -(-TOT // NBUF)
DEN_ROWS = 80
SEG_PER_TILE = 624
SEG_TAIL = NUM_SEG - NSUB * SEG_PER_TILE
ZR = 104


def _sc_scatter_body(p_hbm, e_hbm, idx_hbm, zeros_hbm,
                     acc_out, den_out, *rest):
    data = list(rest[0:NBUF])
    ev = list(rest[NBUF:2 * NBUF])
    xv = list(rest[2 * NBUF:3 * NBUF])
    den_v = rest[3 * NBUF]
    idx_id = rest[3 * NBUF + 1]
    acc_sh = rest[3 * NBUF + 2]
    den_sh = rest[3 * NBUF + 3]
    isem = list(rest[3 * NBUF + 4:4 * NBUF + 4])
    ssem = list(rest[4 * NBUF + 4:5 * NBUF + 4])

    cid = lax.axis_index("c")
    sid = lax.axis_index("s")
    wid = cid * NSUB + sid

    def valid(i):
        return (i * NW + wid) < NCHUNK

    def in_copies(i, b):
        base = (i * NW + wid) * CH
        return (
            pltpu.make_async_copy(p_hbm.at[pl.ds(base, CH)], data[b], isem[b]),
            pltpu.make_async_copy(e_hbm.at[pl.ds(base, CH)], ev[b], isem[b]),
            pltpu.make_async_copy(idx_hbm.at[pl.ds(base, CH)], xv[b], isem[b]),
        )

    def scat_copy(b):
        return pltpu.make_async_copy(data[b], acc_sh.at[xv[b]], ssem[b])

    for z in range(SEG_PER_TILE // ZR):
        pltpu.sync_copy(zeros_hbm,
                        acc_sh.at[pl.ds(sid * SEG_PER_TILE + z * ZR, ZR)])

    @pl.when(sid == NSUB - 1)
    def _():
        pltpu.sync_copy(zeros_hbm.at[pl.ds(0, SEG_TAIL)],
                        acc_sh.at[pl.ds(NSUB * SEG_PER_TILE, SEG_TAIL)])

    pltpu.sync_copy(zeros_hbm.at[pl.ds(0, DEN_ROWS)], den_v)
    for j in range(DEN_ROWS // 16):
        idx_id[pl.ds(j * 16, 16)] = lax.iota(jnp.int32, 16) + (j * 16)

    @pl.when(sid == 0)
    def _():
        pltpu.sync_copy(zeros_hbm.at[pl.ds(0, DEN_ROWS)], den_sh)

    plsc.subcore_barrier()

    for b in range(PREF):
        for c in in_copies(b, b):
            c.start()

    def _round(o, carry):
        for b in range(NBUF):
            i = o * NBUF + b

            @pl.when(valid(i))
            def _():
                for c in in_copies(i, b):
                    c.wait()
                for j in range(CH // 16):
                    sl = pl.ds(j * 16, 16)
                    idx16 = xv[b][sl]
                    hi16 = lax.shift_right_logical(idx16, 7)
                    lo16 = lax.bitwise_and(idx16, 127)
                    plsc.addupdate_scatter(den_v, [hi16, lo16], ev[b][sl])
                scat_copy(b).start(add=True)

            bp = (b + PREF) % NBUF

            @pl.when((i >= LAG) & valid(i - LAG))
            def _():
                scat_copy(bp).wait()

            @pl.when(valid(i + PREF))
            def _():
                for c in in_copies(i + PREF, bp):
                    c.start()
        return carry

    lax.fori_loop(0, NROUND, _round, 0)

    for i in range(NROUND * NBUF - LAG, NROUND * NBUF):
        @pl.when(valid(i))
        def _():
            scat_copy(i % NBUF).wait()

    pltpu.sync_copy(den_v, den_sh.at[idx_id], add=True)

    plsc.subcore_barrier()

    row0 = sid * SEG_PER_TILE
    pltpu.sync_copy(acc_sh.at[pl.ds(row0, SEG_PER_TILE)],
                    acc_out.at[cid, pl.ds(row0, SEG_PER_TILE)])

    @pl.when(sid == NSUB - 1)
    def _():
        pltpu.sync_copy(acc_sh.at[pl.ds(NSUB * SEG_PER_TILE, SEG_TAIL)],
                        acc_out.at[cid, pl.ds(NSUB * SEG_PER_TILE, SEG_TAIL)])

    @pl.when(sid == 0)
    def _():
        pltpu.sync_copy(den_sh, den_out.at[cid])


def _sc_scatter(P, E1, idx1, zeros):
    f = functools.partial(
        pl.kernel,
        mesh=plsc.VectorSubcoreMesh(core_axis_name="c", subcore_axis_name="s"),
        compiler_params=pltpu.CompilerParams(needs_layout_passes=False),
        out_type=[
            jax.ShapeDtypeStruct((NCORE, NUM_SEG, D_V), jnp.float32),
            jax.ShapeDtypeStruct((NCORE, DEN_ROWS, 128), jnp.float32),
        ],
        scratch_types=(
            [pltpu.VMEM((CH, D_V), jnp.float32) for _ in range(NBUF)]
            + [pltpu.VMEM((CH,), jnp.float32) for _ in range(NBUF)]
            + [pltpu.VMEM((CH,), jnp.int32) for _ in range(NBUF)]
            + [pltpu.VMEM((DEN_ROWS, 128), jnp.float32),
               pltpu.VMEM((DEN_ROWS,), jnp.int32),
               pltpu.VMEM_SHARED((NUM_SEG, D_V), jnp.float32),
               pltpu.VMEM_SHARED((DEN_ROWS, 128), jnp.float32)]
            + [pltpu.SemaphoreType.DMA for _ in range(2 * NBUF)]
        ),
    )(_sc_scatter_body)
    return f(P, E1, idx1, zeros)



def _tc_combine_body(*refs):
    acc_refs = refs[:NSLICE]
    den_refs = refs[NSLICE:2 * NSLICE]
    out_ref = refs[2 * NSLICE]
    num = sum(a[0] + a[1] for a in acc_refs)
    den = sum(jnp.sum(d[...], axis=0) for d in den_refs)[:, None]
    out_ref[...] = jnp.where(den > 0.0, num / den, 0.0)


def _tc_combine(accs, dens):
    return pl.pallas_call(
        _tc_combine_body,
        out_shape=jax.ShapeDtypeStruct((NUM_SEG, D_V), jnp.float32),
    )(*accs, *dens)



def kernel(Q, K, V, W_w, U_w, V_w, batch_index):
    vw8 = jnp.broadcast_to(V_w.reshape(1, HID), (8, HID))
    idx = batch_index.astype(jnp.int32).reshape(NSLICE, NS)
    zeros = jnp.zeros((ZR, D_V), jnp.float32)
    accs, dens = [], []
    for s in range(NSLICE):
        P, E2 = _tc_dense(Q, K, V, W_w, U_w, vw8, s)
        acc, den = _sc_scatter(P, E2.reshape(NS), idx[s], zeros)
        accs.append(acc)
        dens.append(den.reshape(NCORE, DEN_ROWS * 128)[:, :NUM_SEG])
    return _tc_combine(accs, dens)

# --- scband reference (transcript-rebuilt; emitter-appended) ---
"""Pipeline reference for scband-attention-19559281066066 (READ-ONLY COPY).

The authoritative reference and input builder live on the scoring server;
editing this copy changes nothing except your own understanding.
"""

import jax, jax.numpy as jnp
import numpy as np

N = 320000
NUM_SEG = 10000
Q_SIZE = 128
K_SIZE = 128
HID = 64
D_V = 128

def setup_inputs(seed: int = 0) -> dict:
    key = jax.random.key(seed)
    k1, k2, k3, k4, k5, k6, k7 = jax.random.split(key, 7)
    Q = jax.random.normal(k1, (N, Q_SIZE), dtype=jnp.float32)
    K = jax.random.normal(k2, (N, K_SIZE), dtype=jnp.float32)
    V = jax.random.normal(k3, (N, D_V), dtype=jnp.float32)
    batch_index = jnp.sort(jax.random.randint(k4, (N,), 0, NUM_SEG, dtype=jnp.int64))
    # Learned params (torch nn.Linear(in, out, bias=False) weight is [out, in]; store transposed [in, out])
    W_w = jax.random.normal(k5, (Q_SIZE, HID), dtype=jnp.float32) / np.sqrt(Q_SIZE)
    U_w = jax.random.normal(k6, (K_SIZE, HID), dtype=jnp.float32) / np.sqrt(K_SIZE)
    V_w = jax.random.normal(k7, (HID, 1), dtype=jnp.float32) / np.sqrt(HID)
    return {"Q": Q, "K": K, "V": V, "W_w": W_w, "U_w": U_w, "V_w": V_w, "batch_index": batch_index}

def reference(Q, K, V, W_w, U_w, V_w, batch_index):
    QW = Q @ W_w                     # [N, HID]
    KU = K @ U_w                     # [N, HID]
    beta = (jnp.tanh(QW + KU) @ V_w).squeeze(-1)   # [N]
    exp_beta = jnp.exp(beta)                        # [N]
    grouped_sum = jax.ops.segment_sum(exp_beta, batch_index, num_segments=NUM_SEG)  # [NUM_SEG]
    tiled_sum = grouped_sum[batch_index]            # gather back to rows, == tile_sum
    alpha = (exp_beta / tiled_sum)[:, None]         # [N, 1]
    result = jax.ops.segment_sum(alpha * V, batch_index, num_segments=NUM_SEG)      # [NUM_SEG, D_V]
    return result

if __name__ == "__main__":
    import jax
    _d = setup_inputs()
    print(jax.jit(kernel)(*tuple(_d.values())))

</pallas_src>

<mosaic_0001>
#map = affine_map<(d0, d1) -> (0, 0)>
#map1 = affine_map<(d0, d1) -> (0)>
#map2 = affine_map<(d0, d1) -> (0, 0, 0)>
module attributes {stable_mosaic.version = 14 : i64} {
  func.func @_sc_scatter_body(%arg0: i32, %arg1: i32, %arg2: memref<320000x128xf32, #tpu.memory_space<hbm>>, %arg3: memref<320000xf32, #tpu.memory_space<hbm>>, %arg4: memref<320000xi32, #tpu.memory_space<hbm>>, %arg5: memref<104x128xf32, #tpu.memory_space<hbm>>, %arg6: memref<2x10000x128xf32, #tpu.memory_space<hbm>>, %arg7: memref<2x80x128xf32, #tpu.memory_space<hbm>>, %arg8: memref<128x128xf32, #tpu.memory_space<vmem>>, %arg9: memref<128x128xf32, #tpu.memory_space<vmem>>, %arg10: memref<128xf32, #tpu.memory_space<vmem>>, %arg11: memref<128xf32, #tpu.memory_space<vmem>>, %arg12: memref<128xi32, #tpu.memory_space<vmem>>, %arg13: memref<128xi32, #tpu.memory_space<vmem>>, %arg14: memref<80x128xf32, #tpu.memory_space<vmem>>, %arg15: memref<80xi32, #tpu.memory_space<vmem>>, %arg16: memref<10000x128xf32, #tpu.memory_space<vmem_shared>>, %arg17: memref<80x128xf32, #tpu.memory_space<vmem_shared>>, %arg18: memref<!tpu.dma_semaphore, #tpu.memory_space<semaphore_mem>>, %arg19: memref<!tpu.dma_semaphore, #tpu.memory_space<semaphore_mem>>, %arg20: memref<!tpu.dma_semaphore, #tpu.memory_space<semaphore_mem>>, %arg21: memref<!tpu.dma_semaphore, #tpu.memory_space<semaphore_mem>>) attributes {dimension_semantics = [#tpu.dimension_semantics<core_parallel>, #tpu.dimension_semantics<subcore_parallel>], iteration_bounds = array<i64: 2, 16>, scalar_prefetch = 0 : i64, scratch_operands = 14 : i64, tpu.core_type = #tpu.core_type<sc_vector_subcore>, window_params = [{transform_indices = #map}, {transform_indices = #map1}, {transform_indices = #map1}, {transform_indices = #map}, {transform_indices = #map2}, {transform_indices = #map2}]} {
    %mul3A = arith.constant 16 : i32
    %mul3A_0 = arith.muli %arg0, %mul3A : i32
    %add3A = arith.addi %mul3A_0, %arg1 : i32
    %mul3A_1 = arith.constant 624 : i32
    %mul3A_2 = arith.muli %arg1, %mul3A_1 : i32
    %add3A_3 = arith.constant 0 : i32
    %add3A_4 = arith.addi %mul3A_2, %add3A_3 : i32
    "tpu.region"() ({
      %run_scoped3A = tpu.sem_alloc : memref<!tpu.dma_semaphore, #tpu.memory_space<semaphore_mem>>
      %dma_start3A_95 = arith.constant 0 : i32
      %dma_start3A_96 = tpu.memref_slice %arg16[%add3A_4, %dma_start3A_95] : memref<10000x128xf32, #tpu.memory_space<vmem_shared>> -> memref<104x128xf32, #tpu.memory_space<vmem_shared>>
      tpu.enqueue_dma source(%arg5 : memref<104x128xf32, #tpu.memory_space<hbm>>) target(%dma_start3A_96 : memref<104x128xf32, #tpu.memory_space<vmem_shared>>) target_semaphore(%run_scoped3A : memref<!tpu.dma_semaphore, #tpu.memory_space<semaphore_mem>>)
      %dma_wait3A = arith.constant 0 : i32
      %dma_wait3A_97 = tpu.memref_slice %arg16[%add3A_4, %dma_wait3A] : memref<10000x128xf32, #tpu.memory_space<vmem_shared>> -> memref<104x128xf32, #tpu.memory_space<vmem_shared>>
      tpu.wait_dma2 semaphore(%run_scoped3A : memref<!tpu.dma_semaphore, #tpu.memory_space<semaphore_mem>>) src(%arg5 : memref<104x128xf32, #tpu.memory_space<hbm>>) dst(%dma_wait3A_97 : memref<104x128xf32, #tpu.memory_space<vmem_shared>>)
      tpu.yield
    }) : () -> ()
    %mul3A_5 = arith.constant 624 : i32
    %mul3A_6 = arith.muli %arg1, %mul3A_5 : i32
    %add3A_7 = arith.constant 104 : i32
    %add3A_8 = arith.addi %mul3A_6, %add3A_7 : i32
    "tpu.region"() ({
      %run_scoped3A = tpu.sem_alloc : memref<!tpu.dma_semaphore, #tpu.memory_space<semaphore_mem>>
      %dma_start3A_95 = arith.constant 0 : i32
      %dma_start3A_96 = tpu.memref_slice %arg16[%add3A_8, %dma_start3A_95] : memref<10000x128xf32, #tpu.memory_space<vmem_shared>> -> memref<104x128xf32, #tpu.memory_space<vmem_shared>>
      tpu.enqueue_dma source(%arg5 : memref<104x128xf32, #tpu.memory_space<hbm>>) target(%dma_start3A_96 : memref<104x128xf32, #tpu.memory_space<vmem_shared>>) target_semaphore(%run_scoped3A : memref<!tpu.dma_semaphore, #tpu.memory_space<semaphore_mem>>)
      %dma_wait3A = arith.constant 0 : i32
      %dma_wait3A_97 = tpu.memref_slice %arg16[%add3A_8, %dma_wait3A] : memref<10000x128xf32, #tpu.memory_space<vmem_shared>> -> memref<104x128xf32, #tpu.memory_space<vmem_shared>>
      tpu.wait_dma2 semaphore(%run_scoped3A : memref<!tpu.dma_semaphore, #tpu.memory_space<semaphore_mem>>) src(%arg5 : memref<104x128xf32, #tpu.memory_space<hbm>>) dst(%dma_wait3A_97 : memref<104x128xf32, #tpu.memory_space<vmem_shared>>)
      tpu.yield
    }) : () -> ()
    %mul3A_9 = arith.constant 624 : i32
    %mul3A_10 = arith.muli %arg1, %mul3A_9 : i32
    %add3A_11 = arith.constant 208 : i32
    %add3A_12 = arith.addi %mul3A_10, %add3A_11 : i32
    "tpu.region"() ({
      %run_scoped3A = tpu.sem_alloc : memref<!tpu.dma_semaphore, #tpu.memory_space<semaphore_mem>>
      %dma_start3A_95 = arith.constant 0 : i32
      %dma_start3A_96 = tpu.memref_slice %arg16[%add3A_12, %dma_start3A_95] : memref<10000x128xf32, #tpu.memory_space<vmem_shared>> -> memref<104x128xf32, #tpu.memory_space<vmem_shared>>
      tpu.enqueue_dma source(%arg5 : memref<104x128xf32, #tpu.memory_space<hbm>>) target(%dma_start3A_96 : memref<104x128xf32, #tpu.memory_space<vmem_shared>>) target_semaphore(%run_scoped3A : memref<!tpu.dma_semaphore, #tpu.memory_space<semaphore_mem>>)
      %dma_wait3A = arith.constant 0 : i32
      %dma_wait3A_97 = tpu.memref_slice %arg16[%add3A_12, %dma_wait3A] : memref<10000x128xf32, #tpu.memory_space<vmem_shared>> -> memref<104x128xf32, #tpu.memory_space<vmem_shared>>
      tpu.wait_dma2 semaphore(%run_scoped3A : memref<!tpu.dma_semaphore, #tpu.memory_space<semaphore_mem>>) src(%arg5 : memref<104x128xf32, #tpu.memory_space<hbm>>) dst(%dma_wait3A_97 : memref<104x128xf32, #tpu.memory_space<vmem_shared>>)
      tpu.yield
    }) : () -> ()
    %mul3A_13 = arith.constant 624 : i32
    %mul3A_14 = arith.muli %arg1, %mul3A_13 : i32
    %add3A_15 = arith.constant 312 : i32
    %add3A_16 = arith.addi %mul3A_14, %add3A_15 : i32
    "tpu.region"() ({
      %run_scoped3A = tpu.sem_alloc : memref<!tpu.dma_semaphore, #tpu.memory_space<semaphore_mem>>
      %dma_start3A_95 = arith.constant 0 : i32
      %dma_start3A_96 = tpu.memref_slice %arg16[%add3A_16, %dma_start3A_95] : memref<10000x128xf32, #tpu.memory_space<vmem_shared>> -> memref<104x128xf32, #tpu.memory_space<vmem_shared>>
      tpu.enqueue_dma source(%arg5 : memref<104x128xf32, #tpu.memory_space<hbm>>) target(%dma_start3A_96 : memref<104x128xf32, #tpu.memory_space<vmem_shared>>) target_semaphore(%run_scoped3A : memref<!tpu.dma_semaphore, #tpu.memory_space<semaphore_mem>>)
      %dma_wait3A = arith.constant 0 : i32
      %dma_wait3A_97 = tpu.memref_slice %arg16[%add3A_16, %dma_wait3A] : memref<10000x128xf32, #tpu.memory_space<vmem_shared>> -> memref<104x128xf32, #tpu.memory_space<vmem_shared>>
      tpu.wait_dma2 semaphore(%run_scoped3A : memref<!tpu.dma_semaphore, #tpu.memory_space<semaphore_mem>>) src(%arg5 : memref<104x128xf32, #tpu.memory_space<hbm>>) dst(%dma_wait3A_97 : memref<104x128xf32, #tpu.memory_space<vmem_shared>>)
      tpu.yield
    }) : () -> ()
    %mul3A_17 = arith.constant 624 : i32
    %mul3A_18 = arith.muli %arg1, %mul3A_17 : i32
    %add3A_19 = arith.constant 416 : i32
    %add3A_20 = arith.addi %mul3A_18, %add3A_19 : i32
    "tpu.region"() ({
      %run_scoped3A = tpu.sem_alloc : memref<!tpu.dma_semaphore, #tpu.memory_space<semaphore_mem>>
      %dma_start3A_95 = arith.constant 0 : i32
      %dma_start3A_96 = tpu.memref_slice %arg16[%add3A_20, %dma_start3A_95] : memref<10000x128xf32, #tpu.memory_space<vmem_shared>> -> memref<104x128xf32, #tpu.memory_space<vmem_shared>>
      tpu.enqueue_dma source(%arg5 : memref<104x128xf32, #tpu.memory_space<hbm>>) target(%dma_start3A_96 : memref<104x128xf32, #tpu.memory_space<vmem_shared>>) target_semaphore(%run_scoped3A : memref<!tpu.dma_semaphore, #tpu.memory_space<semaphore_mem>>)
      %dma_wait3A = arith.constant 0 : i32
      %dma_wait3A_97 = tpu.memref_slice %arg16[%add3A_20, %dma_wait3A] : memref<10000x128xf32, #tpu.memory_space<vmem_shared>> -> memref<104x128xf32, #tpu.memory_space<vmem_shared>>
      tpu.wait_dma2 semaphore(%run_scoped3A : memref<!tpu.dma_semaphore, #tpu.memory_space<semaphore_mem>>) src(%arg5 : memref<104x128xf32, #tpu.memory_space<hbm>>) dst(%dma_wait3A_97 : memref<104x128xf32, #tpu.memory_space<vmem_shared>>)
      tpu.yield
    }) : () -> ()
    %mul3A_21 = arith.constant 624 : i32
    %mul3A_22 = arith.muli %arg1, %mul3A_21 : i32
    %add3A_23 = arith.constant 520 : i32
    %add3A_24 = arith.addi %mul3A_22, %add3A_23 : i32
    "tpu.region"() ({
      %run_scoped3A = tpu.sem_alloc : memref<!tpu.dma_semaphore, #tpu.memory_space<semaphore_mem>>
      %dma_start3A_95 = arith.constant 0 : i32
      %dma_start3A_96 = tpu.memref_slice %arg16[%add3A_24, %dma_start3A_95] : memref<10000x128xf32, #tpu.memory_space<vmem_shared>> -> memref<104x128xf32, #tpu.memory_space<vmem_shared>>
      tpu.enqueue_dma source(%arg5 : memref<104x128xf32, #tpu.memory_space<hbm>>) target(%dma_start3A_96 : memref<104x128xf32, #tpu.memory_space<vmem_shared>>) target_semaphore(%run_scoped3A : memref<!tpu.dma_semaphore, #tpu.memory_space<semaphore_mem>>)
      %dma_wait3A = arith.constant 0 : i32
      %dma_wait3A_97 = tpu.memref_slice %arg16[%add3A_24, %dma_wait3A] : memref<10000x128xf32, #tpu.memory_space<vmem_shared>> -> memref<104x128xf32, #tpu.memory_space<vmem_shared>>
      tpu.wait_dma2 semaphore(%run_scoped3A : memref<!tpu.dma_semaphore, #tpu.memory_space<semaphore_mem>>) src(%arg5 : memref<104x128xf32, #tpu.memory_space<hbm>>) dst(%dma_wait3A_97 : memref<104x128xf32, #tpu.memory_space<vmem_shared>>)
      tpu.yield
    }) : () -> ()
    %eq3A = arith.constant 15 : i32
    %eq3A_25 = arith.cmpi eq, %arg1, %eq3A : i32
    %convert_element_type3A = arith.extui %eq3A_25 : i1 to i32
    %cond3A = arith.constant 0 : i32
    %cond3A_26 = arith.cmpi ne, %convert_element_type3A, %cond3A : i32
    scf.if %cond3A_26 {
      "tpu.region"() ({
        %run_scoped3A = tpu.sem_alloc : memref<!tpu.dma_semaphore, #tpu.memory_space<semaphore_mem>>
        %dma_start3A_95 = arith.constant 9984 : i32
        %dma_start3A_96 = arith.constant 0 : i32
        %dma_start3A_97 = tpu.memref_slice %arg16[%dma_start3A_95, %dma_start3A_96] : memref<10000x128xf32, #tpu.memory_space<vmem_shared>> -> memref<16x128xf32, #tpu.memory_space<vmem_shared>>
        %dma_start3A_98 = arith.constant 0 : i32
        %dma_start3A_99 = arith.constant 0 : i32
        %dma_start3A_100 = tpu.memref_slice %arg5[%dma_start3A_98, %dma_start3A_99] : memref<104x128xf32, #tpu.memory_space<hbm>> -> memref<16x128xf32, #tpu.memory_space<hbm>>
        tpu.enqueue_dma source(%dma_start3A_100 : memref<16x128xf32, #tpu.memory_space<hbm>>) target(%dma_start3A_97 : memref<16x128xf32, #tpu.memory_space<vmem_shared>>) target_semaphore(%run_scoped3A : memref<!tpu.dma_semaphore, #tpu.memory_space<semaphore_mem>>)
        %dma_wait3A = arith.constant 9984 : i32
        %dma_wait3A_101 = arith.constant 0 : i32
        %dma_wait3A_102 = tpu.memref_slice %arg16[%dma_wait3A, %dma_wait3A_101] : memref<10000x128xf32, #tpu.memory_space<vmem_shared>> -> memref<16x128xf32, #tpu.memory_space<vmem_shared>>
        %dma_wait3A_103 = arith.constant 0 : i32
        %dma_wait3A_104 = arith.constant 0 : i32
        %dma_wait3A_105 = tpu.memref_slice %arg5[%dma_wait3A_103, %dma_wait3A_104] : memref<104x128xf32, #tpu.memory_space<hbm>> -> memref<16x128xf32, #tpu.memory_space<hbm>>
        tpu.wait_dma2 semaphore(%run_scoped3A : memref<!tpu.dma_semaphore, #tpu.memory_space<semaphore_mem>>) src(%dma_wait3A_105 : memref<16x128xf32, #tpu.memory_space<hbm>>) dst(%dma_wait3A_102 : memref<16x128xf32, #tpu.memory_space<vmem_shared>>)
        tpu.yield
      }) : () -> ()
    } else {
    }
    "tpu.region"() ({
      %run_scoped3A = tpu.sem_alloc : memref<!tpu.dma_semaphore, #tpu.memory_space<semaphore_mem>>
      %dma_start3A_95 = arith.constant 0 : i32
      %dma_start3A_96 = arith.constant 0 : i32
      %dma_start3A_97 = tpu.memref_slice %arg5[%dma_start3A_95, %dma_start3A_96] : memref<104x128xf32, #tpu.memory_space<hbm>> -> memref<80x128xf32, #tpu.memory_space<hbm>>
      %dma_start3A_98 = arith.constant 0 : i32
      %dma_start3A_99 = arith.constant 0 : i32
      %dma_start3A_100 = tpu.memref_slice %arg5[%dma_start3A_98, %dma_start3A_99] : memref<104x128xf32, #tpu.memory_space<hbm>> -> memref<80x128xf32, #tpu.memory_space<hbm>>
      tpu.enqueue_dma source(%dma_start3A_100 : memref<80x128xf32, #tpu.memory_space<hbm>>) target(%arg14 : memref<80x128xf32, #tpu.memory_space<vmem>>) target_semaphore(%run_scoped3A : memref<!tpu.dma_semaphore, #tpu.memory_space<semaphore_mem>>)
      %dma_wait3A = arith.constant 0 : i32
      %dma_wait3A_101 = arith.constant 0 : i32
      %dma_wait3A_102 = tpu.memref_slice %arg5[%dma_wait3A, %dma_wait3A_101] : memref<104x128xf32, #tpu.memory_space<hbm>> -> memref<80x128xf32, #tpu.memory_space<hbm>>
      %dma_wait3A_103 = arith.constant 0 : i32
      %dma_wait3A_104 = arith.constant 0 : i32
      %dma_wait3A_105 = tpu.memref_slice %arg5[%dma_wait3A_103, %dma_wait3A_104] : memref<104x128xf32, #tpu.memory_space<hbm>> -> memref<80x128xf32, #tpu.memory_space<hbm>>
      tpu.wait_dma2 semaphore(%run_scoped3A : memref<!tpu.dma_semaphore, #tpu.memory_space<semaphore_mem>>) src(%dma_wait3A_105 : memref<80x128xf32, #tpu.memory_space<hbm>>) dst(%arg14 : memref<80x128xf32, #tpu.memory_space<vmem>>)
      tpu.yield
    }) : () -> ()
    %iota3A = tpu.iota {dimensions = array<i32: 0>} : vector<16xi32>
    %add3A_27 = arith.constant 0 : i32
    %add3A_28 = vector.broadcast %add3A_27 : i32 to vector<16xi32>
    %add3A_29 = arith.addi %iota3A, %add3A_28 : vector<16xi32>
    %swap3A = arith.constant 0 : index
    %swap3A_30 = tpu.vector_load %arg15[%swap3A] {strides = array<i32>} : memref<80xi32, #tpu.memory_space<vmem>>, vector<16xi32>,
    tpu.vector_store %arg15[%swap3A], %add3A_29 {strides = array<i32>} : memref<80xi32, #tpu.memory_space<vmem>>, vector<16xi32>,
    %iota3A_31 = tpu.iota {dimensions = array<i32: 0>} : vector<16xi32>
    %add3A_32 = arith.constant 16 : i32
    %add3A_33 = vector.broadcast %add3A_32 : i32 to vector<16xi32>
    %add3A_34 = arith.addi %iota3A_31, %add3A_33 : vector<16xi32>
    %swap3A_35 = arith.constant 16 : index
    %swap3A_36 = tpu.vector_load %arg15[%swap3A_35] {strides = array<i32>} : memref<80xi32, #tpu.memory_space<vmem>>, vector<16xi32>,
    tpu.vector_store %arg15[%swap3A_35], %add3A_34 {strides = array<i32>} : memref<80xi32, #tpu.memory_space<vmem>>, vector<16xi32>,
    %iota3A_37 = tpu.iota {dimensions = array<i32: 0>} : vector<16xi32>
    %add3A_38 = arith.constant 32 : i32
    %add3A_39 = vector.broadcast %add3A_38 : i32 to vector<16xi32>
    %add3A_40 = arith.addi %iota3A_37, %add3A_39 : vector<16xi32>
    %swap3A_41 = arith.constant 32 : index
    %swap3A_42 = tpu.vector_load %arg15[%swap3A_41] {strides = array<i32>} : memref<80xi32, #tpu.memory_space<vmem>>, vector<16xi32>,
    tpu.vector_store %arg15[%swap3A_41], %add3A_40 {strides = array<i32>} : memref<80xi32, #tpu.memory_space<vmem>>, vector<16xi32>,
    %iota3A_43 = tpu.iota {dimensions = array<i32: 0>} : vector<16xi32>
    %add3A_44 = arith.constant 48 : i32
    %add3A_45 = vector.broadcast %add3A_44 : i32 to vector<16xi32>
    %add3A_46 = arith.addi %iota3A_43, %add3A_45 : vector<16xi32>
    %swap3A_47 = arith.constant 48 : index
    %swap3A_48 = tpu.vector_load %arg15[%swap3A_47] {strides = array<i32>} : memref<80xi32, #tpu.memory_space<vmem>>, vector<16xi32>,
    tpu.vector_store %arg15[%swap3A_47], %add3A_46 {strides = array<i32>} : memref<80xi32, #tpu.memory_space<vmem>>, vector<16xi32>,
    %iota3A_49 = tpu.iota {dimensions = array<i32: 0>} : vector<16xi32>
    %add3A_50 = arith.constant 64 : i32
    %add3A_51 = vector.broadcast %add3A_50 : i32 to vector<16xi32>
    %add3A_52 = arith.addi %iota3A_49, %add3A_51 : vector<16xi32>
    %swap3A_53 = arith.constant 64 : index
    %swap3A_54 = tpu.vector_load %arg15[%swap3A_53] {strides = array<i32>} : memref<80xi32, #tpu.memory_space<vmem>>, vector<16xi32>,
    tpu.vector_store %arg15[%swap3A_53], %add3A_52 {strides = array<i32>} : memref<80xi32, #tpu.memory_space<vmem>>, vector<16xi32>,
    %eq3A_55 = arith.constant 0 : i32
    %eq3A_56 = arith.cmpi eq, %arg1, %eq3A_55 : i32
    %convert_element_type3A_57 = arith.extui %eq3A_56 : i1 to i32
    %cond3A_58 = arith.constant 0 : i32
    %cond3A_59 = arith.cmpi ne, %convert_element_type3A_57, %cond3A_58 : i32
    scf.if %cond3A_59 {
      "tpu.region"() ({
        %run_scoped3A = tpu.sem_alloc : memref<!tpu.dma_semaphore, #tpu.memory_space<semaphore_mem>>
        %dma_start3A_95 = arith.constant 0 : i32
        %dma_start3A_96 = arith.constant 0 : i32
        %dma_start3A_97 = tpu.memref_slice %arg5[%dma_start3A_95, %dma_start3A_96] : memref<104x128xf32, #tpu.memory_space<hbm>> -> memref<80x128xf32, #tpu.memory_space<hbm>>
        tpu.enqueue_dma source(%dma_start3A_97 : memref<80x128xf32, #tpu.memory_space<hbm>>) target(%arg17 : memref<80x128xf32, #tpu.memory_space<vmem_shared>>) target_semaphore(%run_scoped3A : memref<!tpu.dma_semaphore, #tpu.memory_space<semaphore_mem>>)
        %dma_wait3A = arith.constant 0 : i32
        %dma_wait3A_98 = arith.constant 0 : i32
        %dma_wait3A_99 = tpu.memref_slice %arg5[%dma_wait3A, %dma_wait3A_98] : memref<104x128xf32, #tpu.memory_space<hbm>> -> memref<80x128xf32, #tpu.memory_space<hbm>>
        tpu.wait_dma2 semaphore(%run_scoped3A : memref<!tpu.dma_semaphore, #tpu.memory_space<semaphore_mem>>) src(%dma_wait3A_99 : memref<80x128xf32, #tpu.memory_space<hbm>>) dst(%arg17 : memref<80x128xf32, #tpu.memory_space<vmem_shared>>)
        tpu.yield
      }) : () -> ()
    } else {
    }
    %barrier3A = arith.constant 0 : index
    tpu.barrier barrier_id(%barrier3A)
    %add3A_60 = arith.constant 0 : i32
    %add3A_61 = arith.addi %add3A_60, %add3A : i32
    %mul3A_62 = arith.constant 128 : i32
    %mul3A_63 = arith.muli %add3A_61, %mul3A_62 : i32
    %dma_start3A = arith.constant 0 : i32
    %dma_start3A_64 = tpu.memref_slice %arg2[%mul3A_63, %dma_start3A] : memref<320000x128xf32, #tpu.memory_space<hbm>> -> memref<128x128xf32, #tpu.memory_space<hbm>>
    %dma_start3A_65 = arith.constant 0 : i32
    %dma_start3A_66 = tpu.memref_slice %arg2[%mul3A_63, %dma_start3A_65] : memref<320000x128xf32, #tpu.memory_space<hbm>> -> memref<128x128xf32, #tpu.memory_space<hbm>>
    tpu.enqueue_dma source(%dma_start3A_66 : memref<128x128xf32, #tpu.memory_space<hbm>>) target(%arg8 : memref<128x128xf32, #tpu.memory_space<vmem>>) target_semaphore(%arg18 : memref<!tpu.dma_semaphore, #tpu.memory_space<semaphore_mem>>)
    %dma_start3A_67 = tpu.memref_slice %arg3[%mul3A_63] : memref<320000xf32, #tpu.memory_space<hbm>> -> memref<128xf32, #tpu.memory_space<hbm>>
    %dma_start3A_68 = tpu.memref_slice %arg3[%mul3A_63] : memref<320000xf32, #tpu.memory_space<hbm>> -> memref<128xf32, #tpu.memory_space<hbm>>
    tpu.enqueue_dma source(%dma_start3A_68 : memref<128xf32, #tpu.memory_space<hbm>>) target(%arg10 : memref<128xf32, #tpu.memory_space<vmem>>) target_semaphore(%arg18 : memref<!tpu.dma_semaphore, #tpu.memory_space<semaphore_mem>>)
    %dma_start3A_69 = tpu.memref_slice %arg4[%mul3A_63] : memref<320000xi32, #tpu.memory_space<hbm>> -> memref<128xi32, #tpu.memory_space<hbm>>
    %dma_start3A_70 = tpu.memref_slice %arg4[%mul3A_63] : memref<320000xi32, #tpu.memory_space<hbm>> -> memref<128xi32, #tpu.memory_space<hbm>>
    tpu.enqueue_dma source(%dma_start3A_70 : memref<128xi32, #tpu.memory_space<hbm>>) target(%arg12 : memref<128xi32, #tpu.memory_space<vmem>>) target_semaphore(%arg18 : memref<!tpu.dma_semaphore, #tpu.memory_space<semaphore_mem>>)
    %scan3A = arith.constant 0 : i32
    %scan3A_71 = arith.constant 0 : i32
    %scan3A_72 = arith.constant 40 : i32
    %scan3A_73 = arith.addi %scan3A_71, %scan3A_72 : i32
    %scan3A_74 = arith.constant 1 : i32
    scf.for %scan3A_95 = %scan3A_71 to %scan3A_73 step %scan3A_74  : i32 {
      %mul3A_96 = arith.constant 2 : i32
      %mul3A_97 = arith.muli %scan3A_95, %mul3A_96 : i32
      %add3A_98 = arith.constant 0 : i32
      %add3A_99 = arith.addi %mul3A_97, %add3A_98 : i32
      %mul3A_100 = arith.constant 32 : i32
      %mul3A_101 = arith.muli %add3A_99, %mul3A_100 : i32
      %add3A_102 = arith.addi %mul3A_101, %add3A : i32
      %lt3A_103 = arith.constant 2500 : i32
      %lt3A_104 = arith.cmpi slt, %add3A_102, %lt3A_103 : i32
      %convert_element_type3A_105 = arith.extui %lt3A_104 : i1 to i32
      %cond3A_106 = arith.constant 0 : i32
      %cond3A_107 = arith.cmpi ne, %convert_element_type3A_105, %cond3A_106 : i32
      scf.if %cond3A_107 {
        %mul3A_163 = arith.constant 32 : i32
        %mul3A_164 = arith.muli %add3A_99, %mul3A_163 : i32
        %add3A_165 = arith.addi %mul3A_164, %add3A : i32
        %mul3A_166 = arith.constant 128 : i32
        %mul3A_167 = arith.muli %add3A_165, %mul3A_166 : i32
        %dma_wait3A = arith.constant 0 : i32
        %dma_wait3A_168 = tpu.memref_slice %arg2[%mul3A_167, %dma_wait3A] : memref<320000x128xf32, #tpu.memory_space<hbm>> -> memref<128x128xf32, #tpu.memory_space<hbm>>
        %dma_wait3A_169 = arith.constant 0 : i32
        %dma_wait3A_170 = tpu.memref_slice %arg2[%mul3A_167, %dma_wait3A_169] : memref<320000x128xf32, #tpu.memory_space<hbm>> -> memref<128x128xf32, #tpu.memory_space<hbm>>
        tpu.wait_dma2 semaphore(%arg18 : memref<!tpu.dma_semaphore, #tpu.memory_space<semaphore_mem>>) src(%dma_wait3A_170 : memref<128x128xf32, #tpu.memory_space<hbm>>) dst(%arg8 : memref<128x128xf32, #tpu.memory_space<vmem>>)
        %dma_wait3A_171 = tpu.memref_slice %arg3[%mul3A_167] : memref<320000xf32, #tpu.memory_space<hbm>> -> memref<128xf32, #tpu.memory_space<hbm>>
        %dma_wait3A_172 = tpu.memref_slice %arg3[%mul3A_167] : memref<320000xf32, #tpu.memory_space<hbm>> -> memref<128xf32, #tpu.memory_space<hbm>>
        tpu.wait_dma2 semaphore(%arg18 : memref<!tpu.dma_semaphore, #tpu.memory_space<semaphore_mem>>) src(%dma_wait3A_172 : memref<128xf32, #tpu.memory_space<hbm>>) dst(%arg10 : memref<128xf32, #tpu.memory_space<vmem>>)
        %dma_wait3A_173 = tpu.memref_slice %arg4[%mul3A_167] : memref<320000xi32, #tpu.memory_space<hbm>> -> memref<128xi32, #tpu.memory_space<hbm>>
        %dma_wait3A_174 = tpu.memref_slice %arg4[%mul3A_167] : memref<320000xi32, #tpu.memory_space<hbm>> -> memref<128xi32, #tpu.memory_space<hbm>>
        tpu.wait_dma2 semaphore(%arg18 : memref<!tpu.dma_semaphore, #tpu.memory_space<semaphore_mem>>) src(%dma_wait3A_174 : memref<128xi32, #tpu.memory_space<hbm>>) dst(%arg12 : memref<128xi32, #tpu.memory_space<vmem>>)
        %get3A = arith.constant 0 : index
        %get3A_175 = tpu.vector_load %arg12[%get3A] {strides = array<i32>} : memref<128xi32, #tpu.memory_space<vmem>>, vector<16xi32>,
        %shift_right_logical3A = arith.constant 7 : i32
        %shift_right_logical3A_176 = vector.broadcast %shift_right_logical3A : i32 to vector<16xi32>
        %shift_right_logical3A_177 = arith.shrui %get3A_175, %shift_right_logical3A_176 : vector<16xi32>
        %and3A_178 = arith.constant 127 : i32
        %and3A_179 = vector.broadcast %and3A_178 : i32 to vector<16xi32>
        %and3A_180 = arith.andi %get3A_175, %and3A_179 : vector<16xi32>
        %get3A_181 = arith.constant 0 : index
        %get3A_182 = tpu.vector_load %arg10[%get3A_181] {strides = array<i32>} : memref<128xf32, #tpu.memory_space<vmem>>, vector<16xf32>,
        tpu.vector_store_idx %arg14[%shift_right_logical3A_177, %and3A_180], %get3A_182 {add = true} : memref<80x128xf32, #tpu.memory_space<vmem>>[vector<16xi32>, vector<16xi32>], vector<16xf32>,
        %get3A_183 = arith.constant 16 : index
        %get3A_184 = tpu.vector_load %arg12[%get3A_183] {strides = array<i32>} : memref<128xi32, #tpu.memory_space<vmem>>, vector<16xi32>,
        %shift_right_logical3A_185 = arith.constant 7 : i32
        %shift_right_logical3A_186 = vector.broadcast %shift_right_logical3A_185 : i32 to vector<16xi32>
        %shift_right_logical3A_187 = arith.shrui %get3A_184, %shift_right_logical3A_186 : vector<16xi32>
        %and3A_188 = arith.constant 127 : i32
        %and3A_189 = vector.broadcast %and3A_188 : i32 to vector<16xi32>
        %and3A_190 = arith.andi %get3A_184, %and3A_189 : vector<16xi32>
        %get3A_191 = arith.constant 16 : index
        %get3A_192 = tpu.vector_load %arg10[%get3A_191] {strides = array<i32>} : memref<128xf32, #tpu.memory_space<vmem>>, vector<16xf32>,
        tpu.vector_store_idx %arg14[%shift_right_logical3A_187, %and3A_190], %get3A_192 {add = true} : memref<80x128xf32, #tpu.memory_space<vmem>>[vector<16xi32>, vector<16xi32>], vector<16xf32>,
        %get3A_193 = arith.constant 32 : index
        %get3A_194 = tpu.vector_load %arg12[%get3A_193] {strides = array<i32>} : memref<128xi32, #tpu.memory_space<vmem>>, vector<16xi32>,
        %shift_right_logical3A_195 = arith.constant 7 : i32
        %shift_right_logical3A_196 = vector.broadcast %shift_right_logical3A_195 : i32 to vector<16xi32>
        %shift_right_logical3A_197 = arith.shrui %get3A_194, %shift_right_logical3A_196 : vector<16xi32>
        %and3A_198 = arith.constant 127 : i32
        %and3A_199 = vector.broadcast %and3A_198 : i32 to vector<16xi32>
        %and3A_200 = arith.andi %get3A_194, %and3A_199 : vector<16xi32>
        %get3A_201 = arith.constant 32 : index
        %get3A_202 = tpu.vector_load %arg10[%get3A_201] {strides = array<i32>} : memref<128xf32, #tpu.memory_space<vmem>>, vector<16xf32>,
        tpu.vector_store_idx %arg14[%shift_right_logical3A_197, %and3A_200], %get3A_202 {add = true} : memref<80x128xf32, #tpu.memory_space<vmem>>[vector<16xi32>, vector<16xi32>], vector<16xf32>,
        %get3A_203 = arith.constant 48 : index
        %get3A_204 = tpu.vector_load %arg12[%get3A_203] {strides = array<i32>} : memref<128xi32, #tpu.memory_space<vmem>>, vector<16xi32>,
        %shift_right_logical3A_205 = arith.constant 7 : i32
        %shift_right_logical3A_206 = vector.broadcast %shift_right_logical3A_205 : i32 to vector<16xi32>
        %shift_right_logical3A_207 = arith.shrui %get3A_204, %shift_right_logical3A_206 : vector<16xi32>
        %and3A_208 = arith.constant 127 : i32
        %and3A_209 = vector.broadcast %and3A_208 : i32 to vector<16xi32>
        %and3A_210 = arith.andi %get3A_204, %and3A_209 : vector<16xi32>
        %get3A_211 = arith.constant 48 : index
        %get3A_212 = tpu.vector_load %arg10[%get3A_211] {strides = array<i32>} : memref<128xf32, #tpu.memory_space<vmem>>, vector<16xf32>,
        tpu.vector_store_idx %arg14[%shift_right_logical3A_207, %and3A_210], %get3A_212 {add = true} : memref<80x128xf32, #tpu.memory_space<vmem>>[vector<16xi32>, vector<16xi32>], vector<16xf32>,
        %get3A_213 = arith.constant 64 : index
        %get3A_214 = tpu.vector_load %arg12[%get3A_213] {strides = array<i32>} : memref<128xi32, #tpu.memory_space<vmem>>, vector<16xi32>,
        %shift_right_logical3A_215 = arith.constant 7 : i32
        %shift_right_logical3A_216 = vector.broadcast %shift_right_logical3A_215 : i32 to vector<16xi32>
        %shift_right_logical3A_217 = arith.shrui %get3A_214, %shift_right_logical3A_216 : vector<16xi32>
        %and3A_218 = arith.constant 127 : i32
        %and3A_219 = vector.broadcast %and3A_218 : i32 to vector<16xi32>
        %and3A_220 = arith.andi %get3A_214, %and3A_219 : vector<16xi32>
        %get3A_221 = arith.constant 64 : index
        %get3A_222 = tpu.vector_load %arg10[%get3A_221] {strides = array<i32>} : memref<128xf32, #tpu.memory_space<vmem>>, vector<16xf32>,
        tpu.vector_store_idx %arg14[%shift_right_logical3A_217, %and3A_220], %get3A_222 {add = true} : memref<80x128xf32, #tpu.memory_space<vmem>>[vector<16xi32>, vector<16xi32>], vector<16xf32>,
        %get3A_223 = arith.constant 80 : index
        %get3A_224 = tpu.vector_load %arg12[%get3A_223] {strides = array<i32>} : memref<128xi32, #tpu.memory_space<vmem>>, vector<16xi32>,
        %shift_right_logical3A_225 = arith.constant 7 : i32
        %shift_right_logical3A_226 = vector.broadcast %shift_right_logical3A_225 : i32 to vector<16xi32>
        %shift_right_logical3A_227 = arith.shrui %get3A_224, %shift_right_logical3A_226 : vector<16xi32>
        %and3A_228 = arith.constant 127 : i32
        %and3A_229 = vector.broadcast %and3A_228 : i32 to vector<16xi32>
        %and3A_230 = arith.andi %get3A_224, %and3A_229 : vector<16xi32>
        %get3A_231 = arith.constant 80 : index
        %get3A_232 = tpu.vector_load %arg10[%get3A_231] {strides = array<i32>} : memref<128xf32, #tpu.memory_space<vmem>>, vector<16xf32>,
        tpu.vector_store_idx %arg14[%shift_right_logical3A_227, %and3A_230], %get3A_232 {add = true} : memref<80x128xf32, #tpu.memory_space<vmem>>[vector<16xi32>, vector<16xi32>], vector<16xf32>,
        %get3A_233 = arith.constant 96 : index
        %get3A_234 = tpu.vector_load %arg12[%get3A_233] {strides = array<i32>} : memref<128xi32, #tpu.memory_space<vmem>>, vector<16xi32>,
        %shift_right_logical3A_235 = arith.constant 7 : i32
        %shift_right_logical3A_236 = vector.broadcast %shift_right_logical3A_235 : i32 to vector<16xi32>
        %shift_right_logical3A_237 = arith.shrui %get3A_234, %shift_right_logical3A_236 : vector<16xi32>
        %and3A_238 = arith.constant 127 : i32
        %and3A_239 = vector.broadcast %and3A_238 : i32 to vector<16xi32>
        %and3A_240 = arith.andi %get3A_234, %and3A_239 : vector<16xi32>
        %get3A_241 = arith.constant 96 : index
        %get3A_242 = tpu.vector_load %arg10[%get3A_241] {strides = array<i32>} : memref<128xf32, #tpu.memory_space<vmem>>, vector<16xf32>,
        tpu.vector_store_idx %arg14[%shift_right_logical3A_237, %and3A_240], %get3A_242 {add = true} : memref<80x128xf32, #tpu.memory_space<vmem>>[vector<16xi32>, vector<16xi32>], vector<16xf32>,
        %get3A_243 = arith.constant 112 : index
        %get3A_244 = tpu.vector_load %arg12[%get3A_243] {strides = array<i32>} : memref<128xi32, #tpu.memory_space<vmem>>, vector<16xi32>,
        %shift_right_logical3A_245 = arith.constant 7 : i32
        %shift_right_logical3A_246 = vector.broadcast %shift_right_logical3A_245 : i32 to vector<16xi32>
        %shift_right_logical3A_247 = arith.shrui %get3A_244, %shift_right_logical3A_246 : vector<16xi32>
        %and3A_248 = arith.constant 127 : i32
        %and3A_249 = vector.broadcast %and3A_248 : i32 to vector<16xi32>
        %and3A_250 = arith.andi %get3A_244, %and3A_249 : vector<16xi32>
        %get3A_251 = arith.constant 112 : index
        %get3A_252 = tpu.vector_load %arg10[%get3A_251] {strides = array<i32>} : memref<128xf32, #tpu.memory_space<vmem>>, vector<16xf32>,
        tpu.vector_store_idx %arg14[%shift_right_logical3A_247, %and3A_250], %get3A_252 {add = true} : memref<80x128xf32, #tpu.memory_space<vmem>>[vector<16xi32>, vector<16xi32>], vector<16xf32>,
        %dma_start3A_253 = arith.constant 0 : i32
        %dma_start3A_254 = arith.constant 0 : i32
        %dma_start3A_255 = tpu.memref_slice %arg16[%dma_start3A_253, %dma_start3A_254] : memref<10000x128xf32, #tpu.memory_space<vmem_shared>> -> memref<10000x128xf32, #tpu.memory_space<vmem_shared>>
        tpu.enqueue_indirect_dma source(%arg8 : memref<128x128xf32, #tpu.memory_space<vmem>>) target(%dma_start3A_255 : memref<10000x128xf32, #tpu.memory_space<vmem_shared>>) offsets(%arg12 : memref<128xi32, #tpu.memory_space<vmem>>) semaphore(%arg20 : memref<!tpu.dma_semaphore, #tpu.memory_space<semaphore_mem>>) {add = true}
      } else {
      }
      %ge3A = arith.constant 1 : i32
      %ge3A_108 = arith.cmpi sge, %add3A_99, %ge3A : i32
      %sub3A = arith.constant 1 : i32
      %sub3A_109 = arith.subi %add3A_99, %sub3A : i32
      %mul3A_110 = arith.constant 32 : i32
      %mul3A_111 = arith.muli %sub3A_109, %mul3A_110 : i32
      %add3A_112 = arith.addi %mul3A_111, %add3A : i32
      %lt3A_113 = arith.constant 2500 : i32
      %lt3A_114 = arith.cmpi slt, %add3A_112, %lt3A_113 : i32
      %and3A = arith.andi %ge3A_108, %lt3A_114 : i1
      %convert_element_type3A_115 = arith.extui %and3A : i1 to i32
      %cond3A_116 = arith.constant 0 : i32
      %cond3A_117 = arith.cmpi ne, %convert_element_type3A_115, %cond3A_116 : i32
      scf.if %cond3A_117 {
        %dma_wait3A = arith.constant 0 : i32
        %dma_wait3A_163 = arith.constant 0 : i32
        %dma_wait3A_164 = tpu.memref_slice %arg16[%dma_wait3A, %dma_wait3A_163] : memref<10000x128xf32, #tpu.memory_space<vmem_shared>> -> memref<10000x128xf32, #tpu.memory_space<vmem_shared>>
        tpu.wait_indirect_dma semaphore(%arg21 : memref<!tpu.dma_semaphore, #tpu.memory_space<semaphore_mem>>) src(%arg9 : memref<128x128xf32, #tpu.memory_space<vmem>>) dst(%dma_wait3A_164 : memref<10000x128xf32, #tpu.memory_space<vmem_shared>>)
      } else {
      }
      %add3A_118 = arith.constant 1 : i32
      %add3A_119 = arith.addi %add3A_99, %add3A_118 : i32
      %mul3A_120 = arith.constant 32 : i32
      %mul3A_121 = arith.muli %add3A_119, %mul3A_120 : i32
      %add3A_122 = arith.addi %mul3A_121, %add3A : i32
      %lt3A_123 = arith.constant 2500 : i32
      %lt3A_124 = arith.cmpi slt, %add3A_122, %lt3A_123 : i32
      %convert_element_type3A_125 = arith.extui %lt3A_124 : i1 to i32
      %cond3A_126 = arith.constant 0 : i32
      %cond3A_127 = arith.cmpi ne, %convert_element_type3A_125, %cond3A_126 : i32
      scf.if %cond3A_127 {
        %add3A_163 = arith.constant 1 : i32
        %add3A_164 = arith.addi %add3A_99, %add3A_163 : i32
        %mul3A_165 = arith.constant 32 : i32
        %mul3A_166 = arith.muli %add3A_164, %mul3A_165 : i32
        %add3A_167 = arith.addi %mul3A_166, %add3A : i32
        %mul3A_168 = arith.constant 128 : i32
        %mul3A_169 = arith.muli %add3A_167, %mul3A_168 : i32
        %dma_start3A_170 = arith.constant 0 : i32
        %dma_start3A_171 = tpu.memref_slice %arg2[%mul3A_169, %dma_start3A_170] : memref<320000x128xf32, #tpu.memory_space<hbm>> -> memref<128x128xf32, #tpu.memory_space<hbm>>
        %dma_start3A_172 = arith.constant 0 : i32
        %dma_start3A_173 = tpu.memref_slice %arg2[%mul3A_169, %dma_start3A_172] : memref<320000x128xf32, #tpu.memory_space<hbm>> -> memref<128x128xf32, #tpu.memory_space<hbm>>
        tpu.enqueue_dma source(%dma_start3A_173 : memref<128x128xf32, #tpu.memory_space<hbm>>) target(%arg9 : memref<128x128xf32, #tpu.memory_space<vmem>>) target_semaphore(%arg19 : memref<!tpu.dma_semaphore, #tpu.memory_space<semaphore_mem>>)
        %dma_start3A_174 = tpu.memref_slice %arg3[%mul3A_169] : memref<320000xf32, #tpu.memory_space<hbm>> -> memref<128xf32, #tpu.memory_space<hbm>>
        %dma_start3A_175 = tpu.memref_slice %arg3[%mul3A_169] : memref<320000xf32, #tpu.memory_space<hbm>> -> memref<128xf32, #tpu.memory_space<hbm>>
        tpu.enqueue_dma source(%dma_start3A_175 : memref<128xf32, #tpu.memory_space<hbm>>) target(%arg11 : memref<128xf32, #tpu.memory_space<vmem>>) target_semaphore(%arg19 : memref<!tpu.dma_semaphore, #tpu.memory_space<semaphore_mem>>)
        %dma_start3A_176 = tpu.memref_slice %arg4[%mul3A_169] : memref<320000xi32, #tpu.memory_space<hbm>> -> memref<128xi32, #tpu.memory_space<hbm>>
        %dma_start3A_177 = tpu.memref_slice %arg4[%mul3A_169] : memref<320000xi32, #tpu.memory_space<hbm>> -> memref<128xi32, #tpu.memory_space<hbm>>
        tpu.enqueue_dma source(%dma_start3A_177 : memref<128xi32, #tpu.memory_space<hbm>>) target(%arg13 : memref<128xi32, #tpu.memory_space<vmem>>) target_semaphore(%arg19 : memref<!tpu.dma_semaphore, #tpu.memory_space<semaphore_mem>>)
      } else {
      }
      %mul3A_128 = arith.constant 2 : i32
      %mul3A_129 = arith.muli %scan3A_95, %mul3A_128 : i32
      %add3A_130 = arith.constant 1 : i32
      %add3A_131 = arith.addi %mul3A_129, %add3A_130 : i32
      %mul3A_132 = arith.constant 32 : i32
      %mul3A_133 = arith.muli %add3A_131, %mul3A_132 : i32
      %add3A_134 = arith.addi %mul3A_133, %add3A : i32
      %lt3A_135 = arith.constant 2500 : i32
      %lt3A_136 = arith.cmpi slt, %add3A_134, %lt3A_135 : i32
      %convert_element_type3A_137 = arith.extui %lt3A_136 : i1 to i32
      %cond3A_138 = arith.constant 0 : i32
      %cond3A_139 = arith.cmpi ne, %convert_element_type3A_137, %cond3A_138 : i32
      scf.if %cond3A_139 {
        %mul3A_163 = arith.constant 32 : i32
        %mul3A_164 = arith.muli %add3A_131, %mul3A_163 : i32
        %add3A_165 = arith.addi %mul3A_164, %add3A : i32
        %mul3A_166 = arith.constant 128 : i32
        %mul3A_167 = arith.muli %add3A_165, %mul3A_166 : i32
        %dma_wait3A = arith.constant 0 : i32
        %dma_wait3A_168 = tpu.memref_slice %arg2[%mul3A_167, %dma_wait3A] : memref<320000x128xf32, #tpu.memory_space<hbm>> -> memref<128x128xf32, #tpu.memory_space<hbm>>
        %dma_wait3A_169 = arith.constant 0 : i32
        %dma_wait3A_170 = tpu.memref_slice %arg2[%mul3A_167, %dma_wait3A_169] : memref<320000x128xf32, #tpu.memory_space<hbm>> -> memref<128x128xf32, #tpu.memory_space<hbm>>
        tpu.wait_dma2 semaphore(%arg19 : memref<!tpu.dma_semaphore, #tpu.memory_space<semaphore_mem>>) src(%dma_wait3A_170 : memref<128x128xf32, #tpu.memory_space<hbm>>) dst(%arg9 : memref<128x128xf32, #tpu.memory_space<vmem>>)
        %dma_wait3A_171 = tpu.memref_slice %arg3[%mul3A_167] : memref<320000xf32, #tpu.memory_space<hbm>> -> memref<128xf32, #tpu.memory_space<hbm>>
        %dma_wait3A_172 = tpu.memref_slice %arg3[%mul3A_167] : memref<320000xf32, #tpu.memory_space<hbm>> -> memref<128xf32, #tpu.memory_space<hbm>>
        tpu.wait_dma2 semaphore(%arg19 : memref<!tpu.dma_semaphore, #tpu.memory_space<semaphore_mem>>) src(%dma_wait3A_172 : memref<128xf32, #tpu.memory_space<hbm>>) dst(%arg11 : memref<128xf32, #tpu.memory_space<vmem>>)
        %dma_wait3A_173 = tpu.memref_slice %arg4[%mul3A_167] : memref<320000xi32, #tpu.memory_space<hbm>> -> memref<128xi32, #tpu.memory_space<hbm>>
        %dma_wait3A_174 = tpu.memref_slice %arg4[%mul3A_167] : memref<320000xi32, #tpu.memory_space<hbm>> -> memref<128xi32, #tpu.memory_space<hbm>>
        tpu.wait_dma2 semaphore(%arg19 : memref<!tpu.dma_semaphore, #tpu.memory_space<semaphore_mem>>) src(%dma_wait3A_174 : memref<128xi32, #tpu.memory_space<hbm>>) dst(%arg13 : memref<128xi32, #tpu.memory_space<vmem>>)
        %get3A = arith.constant 0 : index
        %get3A_175 = tpu.vector_load %arg13[%get3A] {strides = array<i32>} : memref<128xi32, #tpu.memory_space<vmem>>, vector<16xi32>,
        %shift_right_logical3A = arith.constant 7 : i32
        %shift_right_logical3A_176 = vector.broadcast %shift_right_logical3A : i32 to vector<16xi32>
        %shift_right_logical3A_177 = arith.shrui %get3A_175, %shift_right_logical3A_176 : vector<16xi32>
        %and3A_178 = arith.constant 127 : i32
        %and3A_179 = vector.broadcast %and3A_178 : i32 to vector<16xi32>
        %and3A_180 = arith.andi %get3A_175, %and3A_179 : vector<16xi32>
        %get3A_181 = arith.constant 0 : index
        %get3A_182 = tpu.vector_load %arg11[%get3A_181] {strides = array<i32>} : memref<128xf32, #tpu.memory_space<vmem>>, vector<16xf32>,
        tpu.vector_store_idx %arg14[%shift_right_logical3A_177, %and3A_180], %get3A_182 {add = true} : memref<80x128xf32, #tpu.memory_space<vmem>>[vector<16xi32>, vector<16xi32>], vector<16xf32>,
        %get3A_183 = arith.constant 16 : index
        %get3A_184 = tpu.vector_load %arg13[%get3A_183] {strides = array<i32>} : memref<128xi32, #tpu.memory_space<vmem>>, vector<16xi32>,
        %shift_right_logical3A_185 = arith.constant 7 : i32
        %shift_right_logical3A_186 = vector.broadcast %shift_right_logical3A_185 : i32 to vector<16xi32>
        %shift_right_logical3A_187 = arith.shrui %get3A_184, %shift_right_logical3A_186 : vector<16xi32>
        %and3A_188 = arith.constant 127 : i32
        %and3A_189 = vector.broadcast %and3A_188 : i32 to vector<16xi32>
        %and3A_190 = arith.andi %get3A_184, %and3A_189 : vector<16xi32>
        %get3A_191 = arith.constant 16 : index
        %get3A_192 = tpu.vector_load %arg11[%get3A_191] {strides = array<i32>} : memref<128xf32, #tpu.memory_space<vmem>>, vector<16xf32>,
        tpu.vector_store_idx %arg14[%shift_right_logical3A_187, %and3A_190], %get3A_192 {add = true} : memref<80x128xf32, #tpu.memory_space<vmem>>[vector<16xi32>, vector<16xi32>], vector<16xf32>,
        %get3A_193 = arith.constant 32 : index
        %get3A_194 = tpu.vector_load %arg13[%get3A_193] {strides = array<i32>} : memref<128xi32, #tpu.memory_space<vmem>>, vector<16xi32>,
        %shift_right_logical3A_195 = arith.constant 7 : i32
        %shift_right_logical3A_196 = vector.broadcast %shift_right_logical3A_195 : i32 to vector<16xi32>
        %shift_right_logical3A_197 = arith.shrui %get3A_194, %shift_right_logical3A_196 : vector<16xi32>
        %and3A_198 = arith.constant 127 : i32
        %and3A_199 = vector.broadcast %and3A_198 : i32 to vector<16xi32>
        %and3A_200 = arith.andi %get3A_194, %and3A_199 : vector<16xi32>
        %get3A_201 = arith.constant 32 : index
        %get3A_202 = tpu.vector_load %arg11[%get3A_201] {strides = array<i32>} : memref<128xf32, #tpu.memory_space<vmem>>, vector<16xf32>,
        tpu.vector_store_idx %arg14[%shift_right_logical3A_197, %and3A_200], %get3A_202 {add = true} : memref<80x128xf32, #tpu.memory_space<vmem>>[vector<16xi32>, vector<16xi32>], vector<16xf32>,
        %get3A_203 = arith.constant 48 : index
        %get3A_204 = tpu.vector_load %arg13[%get3A_203] {strides = array<i32>} : memref<128xi32, #tpu.memory_space<vmem>>, vector<16xi32>,
        %shift_right_logical3A_205 = arith.constant 7 : i32
        %shift_right_logical3A_206 = vector.broadcast %shift_right_logical3A_205 : i32 to vector<16xi32>
        %shift_right_logical3A_207 = arith.shrui %get3A_204, %shift_right_logical3A_206 : vector<16xi32>
        %and3A_208 = arith.constant 127 : i32
        %and3A_209 = vector.broadcast %and3A_208 : i32 to vector<16xi32>
        %and3A_210 = arith.andi %get3A_204, %and3A_209 : vector<16xi32>
        %get3A_211 = arith.constant 48 : index
        %get3A_212 = tpu.vector_load %arg11[%get3A_211] {strides = array<i32>} : memref<128xf32, #tpu.memory_space<vmem>>, vector<16xf32>,
        tpu.vector_store_idx %arg14[%shift_right_logical3A_207, %and3A_210], %get3A_212 {add = true} : memref<80x128xf32, #tpu.memory_space<vmem>>[vector<16xi32>, vector<16xi32>], vector<16xf32>,
        %get3A_213 = arith.constant 64 : index
        %get3A_214 = tpu.vector_load %arg13[%get3A_213] {strides = array<i32>} : memref<128xi32, #tpu.memory_space<vmem>>, vector<16xi32>,
        %shift_right_logical3A_215 = arith.constant 7 : i32
        %shift_right_logical3A_216 = vector.broadcast %shift_right_logical3A_215 : i32 to vector<16xi32>
        %shift_right_logical3A_217 = arith.shrui %get3A_214, %shift_right_logical3A_216 : vector<16xi32>
        %and3A_218 = arith.constant 127 : i32
        %and3A_219 = vector.broadcast %and3A_218 : i32 to vector<16xi32>
        %and3A_220 = arith.andi %get3A_214, %and3A_219 : vector<16xi32>
        %get3A_221 = arith.constant 64 : index
        %get3A_222 = tpu.vector_load %arg11[%get3A_221] {strides = array<i32>} : memref<128xf32, #tpu.memory_space<vmem>>, vector<16xf32>,
        tpu.vector_store_idx %arg14[%shift_right_logical3A_217, %and3A_220], %get3A_222 {add = true} : memref<80x128xf32, #tpu.memory_space<vmem>>[vector<16xi32>, vector<16xi32>], vector<16xf32>,
        %get3A_223 = arith.constant 80 : index
        %get3A_224 = tpu.vector_load %arg13[%get3A_223] {strides = array<i32>} : memref<128xi32, #tpu.memory_space<vmem>>, vector<16xi32>,
        %shift_right_logical3A_225 = arith.constant 7 : i32
        %shift_right_logical3A_226 = vector.broadcast %shift_right_logical3A_225 : i32 to vector<16xi32>
        %shift_right_logical3A_227 = arith.shrui %get3A_224, %shift_right_logical3A_226 : vector<16xi32>
        %and3A_228 = arith.constant 127 : i32
        %and3A_229 = vector.broadcast %and3A_228 : i32 to vector<16xi32>
        %and3A_230 = arith.andi %get3A_224, %and3A_229 : vector<16xi32>
        %get3A_231 = arith.constant 80 : index
        %get3A_232 = tpu.vector_load %arg11[%get3A_231] {strides = array<i32>} : memref<128xf32, #tpu.memory_space<vmem>>, vector<16xf32>,
        tpu.vector_store_idx %arg14[%shift_right_logical3A_227, %and3A_230], %get3A_232 {add = true} : memref<80x128xf32, #tpu.memory_space<vmem>>[vector<16xi32>, vector<16xi32>], vector<16xf32>,
        %get3A_233 = arith.constant 96 : index
        %get3A_234 = tpu.vector_load %arg13[%get3A_233] {strides = array<i32>} : memref<128xi32, #tpu.memory_space<vmem>>, vector<16xi32>,
        %shift_right_logical3A_235 = arith.constant 7 : i32
        %shift_right_logical3A_236 = vector.broadcast %shift_right_logical3A_235 : i32 to vector<16xi32>
        %shift_right_logical3A_237 = arith.shrui %get3A_234, %shift_right_logical3A_236 : vector<16xi32>
        %and3A_238 = arith.constant 127 : i32
        %and3A_239 = vector.broadcast %and3A_238 : i32 to vector<16xi32>
        %and3A_240 = arith.andi %get3A_234, %and3A_239 : vector<16xi32>
        %get3A_241 = arith.constant 96 : index
        %get3A_242 = tpu.vector_load %arg11[%get3A_241] {strides = array<i32>} : memref<128xf32, #tpu.memory_space<vmem>>, vector<16xf32>,
        tpu.vector_store_idx %arg14[%shift_right_logical3A_237, %and3A_240], %get3A_242 {add = true} : memref<80x128xf32, #tpu.memory_space<vmem>>[vector<16xi32>, vector<16xi32>], vector<16xf32>,
        %get3A_243 = arith.constant 112 : index
        %get3A_244 = tpu.vector_load %arg13[%get3A_243] {strides = array<i32>} : memref<128xi32, #tpu.memory_space<vmem>>, vector<16xi32>,
        %shift_right_logical3A_245 = arith.constant 7 : i32
        %shift_right_logical3A_246 = vector.broadcast %shift_right_logical3A_245 : i32 to vector<16xi32>
        %shift_right_logical3A_247 = arith.shrui %get3A_244, %shift_right_logical3A_246 : vector<16xi32>
        %and3A_248 = arith.constant 127 : i32
        %and3A_249 = vector.broadcast %and3A_248 : i32 to vector<16xi32>
        %and3A_250 = arith.andi %get3A_244, %and3A_249 : vector<16xi32>
        %get3A_251 = arith.constant 112 : index
        %get3A_252 = tpu.vector_load %arg11[%get3A_251] {strides = array<i32>} : memref<128xf32, #tpu.memory_space<vmem>>, vector<16xf32>,
        tpu.vector_store_idx %arg14[%shift_right_logical3A_247, %and3A_250], %get3A_252 {add = true} : memref<80x128xf32, #tpu.memory_space<vmem>>[vector<16xi32>, vector<16xi32>], vector<16xf32>,
        %dma_start3A_253 = arith.constant 0 : i32
        %dma_start3A_254 = arith.constant 0 : i32
        %dma_start3A_255 = tpu.memref_slice %arg16[%dma_start3A_253, %dma_start3A_254] : memref<10000x128xf32, #tpu.memory_space<vmem_shared>> -> memref<10000x128xf32, #tpu.memory_space<vmem_shared>>
        tpu.enqueue_indirect_dma source(%arg9 : memref<128x128xf32, #tpu.memory_space<vmem>>) target(%dma_start3A_255 : memref<10000x128xf32, #tpu.memory_space<vmem_shared>>) offsets(%arg13 : memref<128xi32, #tpu.memory_space<vmem>>) semaphore(%arg21 : memref<!tpu.dma_semaphore, #tpu.memory_space<semaphore_mem>>) {add = true}
      } else {
      }
      %ge3A_140 = arith.constant 1 : i32
      %ge3A_141 = arith.cmpi sge, %add3A_131, %ge3A_140 : i32
      %sub3A_142 = arith.constant 1 : i32
      %sub3A_143 = arith.subi %add3A_131, %sub3A_142 : i32
      %mul3A_144 = arith.constant 32 : i32
      %mul3A_145 = arith.muli %sub3A_143, %mul3A_144 : i32
      %add3A_146 = arith.addi %mul3A_145, %add3A : i32
      %lt3A_147 = arith.constant 2500 : i32
      %lt3A_148 = arith.cmpi slt, %add3A_146, %lt3A_147 : i32
      %and3A_149 = arith.andi %ge3A_141, %lt3A_148 : i1
      %convert_element_type3A_150 = arith.extui %and3A_149 : i1 to i32
      %cond3A_151 = arith.constant 0 : i32
      %cond3A_152 = arith.cmpi ne, %convert_element_type3A_150, %cond3A_151 : i32
      scf.if %cond3A_152 {
        %dma_wait3A = arith.constant 0 : i32
        %dma_wait3A_163 = arith.constant 0 : i32
        %dma_wait3A_164 = tpu.memref_slice %arg16[%dma_wait3A, %dma_wait3A_163] : memref<10000x128xf32, #tpu.memory_space<vmem_shared>> -> memref<10000x128xf32, #tpu.memory_space<vmem_shared>>
        tpu.wait_indirect_dma semaphore(%arg20 : memref<!tpu.dma_semaphore, #tpu.memory_space<semaphore_mem>>) src(%arg8 : memref<128x128xf32, #tpu.memory_space<vmem>>) dst(%dma_wait3A_164 : memref<10000x128xf32, #tpu.memory_space<vmem_shared>>)
      } else {
      }
      %add3A_153 = arith.constant 1 : i32
      %add3A_154 = arith.addi %add3A_131, %add3A_153 : i32
      %mul3A_155 = arith.constant 32 : i32
      %mul3A_156 = arith.muli %add3A_154, %mul3A_155 : i32
      %add3A_157 = arith.addi %mul3A_156, %add3A : i32
      %lt3A_158 = arith.constant 2500 : i32
      %lt3A_159 = arith.cmpi slt, %add3A_157, %lt3A_158 : i32
      %convert_element_type3A_160 = arith.extui %lt3A_159 : i1 to i32
      %cond3A_161 = arith.constant 0 : i32
      %cond3A_162 = arith.cmpi ne, %convert_element_type3A_160, %cond3A_161 : i32
      scf.if %cond3A_162 {
        %add3A_163 = arith.constant 1 : i32
        %add3A_164 = arith.addi %add3A_131, %add3A_163 : i32
        %mul3A_165 = arith.constant 32 : i32
        %mul3A_166 = arith.muli %add3A_164, %mul3A_165 : i32
        %add3A_167 = arith.addi %mul3A_166, %add3A : i32
        %mul3A_168 = arith.constant 128 : i32
        %mul3A_169 = arith.muli %add3A_167, %mul3A_168 : i32
        %dma_start3A_170 = arith.constant 0 : i32
        %dma_start3A_171 = tpu.memref_slice %arg2[%mul3A_169, %dma_start3A_170] : memref<320000x128xf32, #tpu.memory_space<hbm>> -> memref<128x128xf32, #tpu.memory_space<hbm>>
        %dma_start3A_172 = arith.constant 0 : i32
        %dma_start3A_173 = tpu.memref_slice %arg2[%mul3A_169, %dma_start3A_172] : memref<320000x128xf32, #tpu.memory_space<hbm>> -> memref<128x128xf32, #tpu.memory_space<hbm>>
        tpu.enqueue_dma source(%dma_start3A_173 : memref<128x128xf32, #tpu.memory_space<hbm>>) target(%arg8 : memref<128x128xf32, #tpu.memory_space<vmem>>) target_semaphore(%arg18 : memref<!tpu.dma_semaphore, #tpu.memory_space<semaphore_mem>>)
        %dma_start3A_174 = tpu.memref_slice %arg3[%mul3A_169] : memref<320000xf32, #tpu.memory_space<hbm>> -> memref<128xf32, #tpu.memory_space<hbm>>
        %dma_start3A_175 = tpu.memref_slice %arg3[%mul3A_169] : memref<320000xf32, #tpu.memory_space<hbm>> -> memref<128xf32, #tpu.memory_space<hbm>>
        tpu.enqueue_dma source(%dma_start3A_175 : memref<128xf32, #tpu.memory_space<hbm>>) target(%arg10 : memref<128xf32, #tpu.memory_space<vmem>>) target_semaphore(%arg18 : memref<!tpu.dma_semaphore, #tpu.memory_space<semaphore_mem>>)
        %dma_start3A_176 = tpu.memref_slice %arg4[%mul3A_169] : memref<320000xi32, #tpu.memory_space<hbm>> -> memref<128xi32, #tpu.memory_space<hbm>>
        %dma_start3A_177 = tpu.memref_slice %arg4[%mul3A_169] : memref<320000xi32, #tpu.memory_space<hbm>> -> memref<128xi32, #tpu.memory_space<hbm>>
        tpu.enqueue_dma source(%dma_start3A_177 : memref<128xi32, #tpu.memory_space<hbm>>) target(%arg12 : memref<128xi32, #tpu.memory_space<vmem>>) target_semaphore(%arg18 : memref<!tpu.dma_semaphore, #tpu.memory_space<semaphore_mem>>)
      } else {
      }
    }
    %scan3A_75 = arith.constant 40 : i32
    %add3A_76 = arith.constant 2528 : i32
    %add3A_77 = arith.addi %add3A_76, %add3A : i32
    %lt3A = arith.constant 2500 : i32
    %lt3A_78 = arith.cmpi slt, %add3A_77, %lt3A : i32
    %convert_element_type3A_79 = arith.extui %lt3A_78 : i1 to i32
    %cond3A_80 = arith.constant 0 : i32
    %cond3A_81 = arith.cmpi ne, %convert_element_type3A_79, %cond3A_80 : i32
    scf.if %cond3A_81 {
      %dma_wait3A = arith.constant 0 : i32
      %dma_wait3A_95 = arith.constant 0 : i32
      %dma_wait3A_96 = tpu.memref_slice %arg16[%dma_wait3A, %dma_wait3A_95] : memref<10000x128xf32, #tpu.memory_space<vmem_shared>> -> memref<10000x128xf32, #tpu.memory_space<vmem_shared>>
      tpu.wait_indirect_dma semaphore(%arg21 : memref<!tpu.dma_semaphore, #tpu.memory_space<semaphore_mem>>) src(%arg9 : memref<128x128xf32, #tpu.memory_space<vmem>>) dst(%dma_wait3A_96 : memref<10000x128xf32, #tpu.memory_space<vmem_shared>>)
    } else {
    }
    "tpu.region"() ({
      %run_scoped3A = tpu.sem_alloc : memref<!tpu.dma_semaphore, #tpu.memory_space<semaphore_mem>>
      %dma_start3A_95 = arith.constant 0 : i32
      %dma_start3A_96 = arith.constant 0 : i32
      %dma_start3A_97 = tpu.memref_slice %arg17[%dma_start3A_95, %dma_start3A_96] : memref<80x128xf32, #tpu.memory_space<vmem_shared>> -> memref<80x128xf32, #tpu.memory_space<vmem_shared>>
      tpu.enqueue_indirect_dma source(%arg14 : memref<80x128xf32, #tpu.memory_space<vmem>>) target(%dma_start3A_97 : memref<80x128xf32, #tpu.memory_space<vmem_shared>>) offsets(%arg15 : memref<80xi32, #tpu.memory_space<vmem>>) semaphore(%run_scoped3A : memref<!tpu.dma_semaphore, #tpu.memory_space<semaphore_mem>>) {add = true}
      %dma_wait3A = arith.constant 0 : i32
      %dma_wait3A_98 = arith.constant 0 : i32
      %dma_wait3A_99 = tpu.memref_slice %arg17[%dma_wait3A, %dma_wait3A_98] : memref<80x128xf32, #tpu.memory_space<vmem_shared>> -> memref<80x128xf32, #tpu.memory_space<vmem_shared>>
      tpu.wait_indirect_dma semaphore(%run_scoped3A : memref<!tpu.dma_semaphore, #tpu.memory_space<semaphore_mem>>) src(%arg14 : memref<80x128xf32, #tpu.memory_space<vmem>>) dst(%dma_wait3A_99 : memref<80x128xf32, #tpu.memory_space<vmem_shared>>)
      tpu.yield
    }) : () -> ()
    %barrier3A_82 = arith.constant 0 : index
    tpu.barrier barrier_id(%barrier3A_82)
    %mul3A_83 = arith.constant 624 : i32
    %mul3A_84 = arith.muli %arg1, %mul3A_83 : i32
    "tpu.region"() ({
      %run_scoped3A = tpu.sem_alloc : memref<!tpu.dma_semaphore, #tpu.memory_space<semaphore_mem>>
      %dma_start3A_95 = arith.constant 0 : i32
      %dma_start3A_96 = tpu.memref_slice %arg6[%arg0, %mul3A_84, %dma_start3A_95] : memref<2x10000x128xf32, #tpu.memory_space<hbm>> -> memref<1x624x128xf32, #tpu.memory_space<hbm>>
      %dma_start3A_97 = tpu.memref_squeeze %dma_start3A_96 : memref<1x624x128xf32, #tpu.memory_space<hbm>> -> memref<624x128xf32, #tpu.memory_space<hbm>>
      %dma_start3A_98 = arith.constant 0 : i32
      %dma_start3A_99 = tpu.memref_slice %arg16[%mul3A_84, %dma_start3A_98] : memref<10000x128xf32, #tpu.memory_space<vmem_shared>> -> memref<624x128xf32, #tpu.memory_space<vmem_shared>>
      tpu.enqueue_dma source(%dma_start3A_99 : memref<624x128xf32, #tpu.memory_space<vmem_shared>>) target(%dma_start3A_97 : memref<624x128xf32, #tpu.memory_space<hbm>>) target_semaphore(%run_scoped3A : memref<!tpu.dma_semaphore, #tpu.memory_space<semaphore_mem>>)
      %dma_wait3A = arith.constant 0 : i32
      %dma_wait3A_100 = tpu.memref_slice %arg6[%arg0, %mul3A_84, %dma_wait3A] : memref<2x10000x128xf32, #tpu.memory_space<hbm>> -> memref<1x624x128xf32, #tpu.memory_space<hbm>>
      %dma_wait3A_101 = tpu.memref_squeeze %dma_wait3A_100 : memref<1x624x128xf32, #tpu.memory_space<hbm>> -> memref<624x128xf32, #tpu.memory_space<hbm>>
      %dma_wait3A_102 = arith.constant 0 : i32
      %dma_wait3A_103 = tpu.memref_slice %arg16[%mul3A_84, %dma_wait3A_102] : memref<10000x128xf32, #tpu.memory_space<vmem_shared>> -> memref<624x128xf32, #tpu.memory_space<vmem_shared>>
      tpu.wait_dma2 semaphore(%run_scoped3A : memref<!tpu.dma_semaphore, #tpu.memory_space<semaphore_mem>>) src(%dma_wait3A_103 : memref<624x128xf32, #tpu.memory_space<vmem_shared>>) dst(%dma_wait3A_101 : memref<624x128xf32, #tpu.memory_space<hbm>>)
      tpu.yield
    }) : () -> ()
    %eq3A_85 = arith.constant 15 : i32
    %eq3A_86 = arith.cmpi eq, %arg1, %eq3A_85 : i32
    %convert_element_type3A_87 = arith.extui %eq3A_86 : i1 to i32
    %cond3A_88 = arith.constant 0 : i32
    %cond3A_89 = arith.cmpi ne, %convert_element_type3A_87, %cond3A_88 : i32
    scf.if %cond3A_89 {
      "tpu.region"() ({
        %run_scoped3A = tpu.sem_alloc : memref<!tpu.dma_semaphore, #tpu.memory_space<semaphore_mem>>
        %dma_start3A_95 = arith.constant 9984 : i32
        %dma_start3A_96 = arith.constant 0 : i32
        %dma_start3A_97 = tpu.memref_slice %arg6[%arg0, %dma_start3A_95, %dma_start3A_96] : memref<2x10000x128xf32, #tpu.memory_space<hbm>> -> memref<1x16x128xf32, #tpu.memory_space<hbm>>
        %dma_start3A_98 = tpu.memref_squeeze %dma_start3A_97 : memref<1x16x128xf32, #tpu.memory_space<hbm>> -> memref<16x128xf32, #tpu.memory_space<hbm>>
        %dma_start3A_99 = arith.constant 9984 : i32
        %dma_start3A_100 = arith.constant 0 : i32
        %dma_start3A_101 = tpu.memref_slice %arg16[%dma_start3A_99, %dma_start3A_100] : memref<10000x128xf32, #tpu.memory_space<vmem_shared>> -> memref<16x128xf32, #tpu.memory_space<vmem_shared>>
        tpu.enqueue_dma source(%dma_start3A_101 : memref<16x128xf32, #tpu.memory_space<vmem_shared>>) target(%dma_start3A_98 : memref<16x128xf32, #tpu.memory_space<hbm>>) target_semaphore(%run_scoped3A : memref<!tpu.dma_semaphore, #tpu.memory_space<semaphore_mem>>)
        %dma_wait3A = arith.constant 9984 : i32
        %dma_wait3A_102 = arith.constant 0 : i32
        %dma_wait3A_103 = tpu.memref_slice %arg6[%arg0, %dma_wait3A, %dma_wait3A_102] : memref<2x10000x128xf32, #tpu.memory_space<hbm>> -> memref<1x16x128xf32, #tpu.memory_space<hbm>>
        %dma_wait3A_104 = tpu.memref_squeeze %dma_wait3A_103 : memref<1x16x128xf32, #tpu.memory_space<hbm>> -> memref<16x128xf32, #tpu.memory_space<hbm>>
        %dma_wait3A_105 = arith.constant 9984 : i32
        %dma_wait3A_106 = arith.constant 0 : i32
        %dma_wait3A_107 = tpu.memref_slice %arg16[%dma_wait3A_105, %dma_wait3A_106] : memref<10000x128xf32, #tpu.memory_space<vmem_shared>> -> memref<16x128xf32, #tpu.memory_space<vmem_shared>>
        tpu.wait_dma2 semaphore(%run_scoped3A : memref<!tpu.dma_semaphore, #tpu.memory_space<semaphore_mem>>) src(%dma_wait3A_107 : memref<16x128xf32, #tpu.memory_space<vmem_shared>>) dst(%dma_wait3A_104 : memref<16x128xf32, #tpu.memory_space<hbm>>)
        tpu.yield
      }) : () -> ()
    } else {
    }
    %eq3A_90 = arith.constant 0 : i32
    %eq3A_91 = arith.cmpi eq, %arg1, %eq3A_90 : i32
    %convert_element_type3A_92 = arith.extui %eq3A_91 : i1 to i32
    %cond3A_93 = arith.constant 0 : i32
    %cond3A_94 = arith.cmpi ne, %convert_element_type3A_92, %cond3A_93 : i32
    scf.if %cond3A_94 {
      "tpu.region"() ({
        %run_scoped3A = tpu.sem_alloc : memref<!tpu.dma_semaphore, #tpu.memory_space<semaphore_mem>>
        %dma_start3A_95 = arith.constant 0 : i32
        %dma_start3A_96 = arith.constant 0 : i32
        %dma_start3A_97 = tpu.memref_slice %arg7[%arg0, %dma_start3A_95, %dma_start3A_96] : memref<2x80x128xf32, #tpu.memory_space<hbm>> -> memref<1x80x128xf32, #tpu.memory_space<hbm>>
        %dma_start3A_98 = tpu.memref_squeeze %dma_start3A_97 : memref<1x80x128xf32, #tpu.memory_space<hbm>> -> memref<80x128xf32, #tpu.memory_space<hbm>>
        tpu.enqueue_dma source(%arg17 : memref<80x128xf32, #tpu.memory_space<vmem_shared>>) target(%dma_start3A_98 : memref<80x128xf32, #tpu.memory_space<hbm>>) target_semaphore(%run_scoped3A : memref<!tpu.dma_semaphore, #tpu.memory_space<semaphore_mem>>)
        %dma_wait3A = arith.constant 0 : i32
        %dma_wait3A_99 = arith.constant 0 : i32
        %dma_wait3A_100 = tpu.memref_slice %arg7[%arg0, %dma_wait3A, %dma_wait3A_99] : memref<2x80x128xf32, #tpu.memory_space<hbm>> -> memref<1x80x128xf32, #tpu.memory_space<hbm>>
        %dma_wait3A_101 = tpu.memref_squeeze %dma_wait3A_100 : memref<1x80x128xf32, #tpu.memory_space<hbm>> -> memref<80x128xf32, #tpu.memory_space<hbm>>
        tpu.wait_dma2 semaphore(%run_scoped3A : memref<!tpu.dma_semaphore, #tpu.memory_space<semaphore_mem>>) src(%arg17 : memref<80x128xf32, #tpu.memory_space<vmem_shared>>) dst(%dma_wait3A_101 : memref<80x128xf32, #tpu.memory_space<hbm>>)
        tpu.yield
      }) : () -> ()
    } else {
    }
    return
  }
}

module attributes {stable_mosaic.version = 14 : i64} {
  func.func @_tc_dense_body(%arg0: i32, %arg1: memref<6400x128xf32, #tpu.memory_space<vmem>>, %arg2: memref<6400x128xf32, #tpu.memory_space<vmem>>, %arg3: memref<6400x128xf32, #tpu.memory_space<vmem>>, %arg4: memref<128x64xf32, #tpu.memory_space<vmem>>, %arg5: memref<128x64xf32, #tpu.memory_space<vmem>>, %arg6: memref<8x64xf32, #tpu.memory_space<vmem>>, %arg7: memref<6400x128xf32, #tpu.memory_space<vmem>>, %arg8: memref<1x50x128xf32, #tpu.memory_space<vmem>>) attributes {dimension_semantics = [#tpu.dimension_semantics<arbitrary>], iteration_bounds = array<i64: 50>, scalar_prefetch = 0 : i64, scratch_operands = 0 : i64, tpu.core_type = #tpu.core_type<tc>, window_params = [{transform_indices = @transform_0, window_bounds = array<i64: 6400, 128>}, {transform_indices = @transform_1, window_bounds = array<i64: 6400, 128>}, {transform_indices = @transform_2, window_bounds = array<i64: 6400, 128>}, {pipeline_mode = #tpu.pipeline_mode<synchronous>, transform_indices = @transform_3, window_bounds = array<i64: 128, 64>}, {pipeline_mode = #tpu.pipeline_mode<synchronous>, transform_indices = @transform_4, window_bounds = array<i64: 128, 64>}, {pipeline_mode = #tpu.pipeline_mode<synchronous>, transform_indices = @transform_5, window_bounds = array<i64: 8, 64>}, {transform_indices = @transform_6, window_bounds = array<i64: 6400, 128>}, {transform_indices = @transform_7, window_bounds = array<i64: 1, 50, 128>}]} {
    %get3A = arith.constant 0 : index
    %get3A_0 = arith.constant 0 : index
    %get3A_1 = vector.load %arg1[%get3A, %get3A_0] : memref<6400x128xf32, #tpu.memory_space<vmem>>, vector<6400x128xf32>
    %get3A_2 = arith.constant 0 : index
    %get3A_3 = arith.constant 0 : index
    %get3A_4 = vector.load %arg4[%get3A_2, %get3A_3] : memref<128x64xf32, #tpu.memory_space<vmem>>, vector<128x64xf32>
    %dot_general3A = arith.constant dense<0.000000e+00> : vector<6400x64xf32>
    %dot_general3A_5 = tpu.matmul %get3A_1, %get3A_4, %dot_general3A {dimension_numbers = #tpu.dot_dimension_numbers<[1], [0], [0], [1], [0, 0, 1, 1], [], []>, transpose_lhs_hint = false} : vector<6400x128xf32>, vector<128x64xf32>, vector<6400x64xf32> -> vector<6400x64xf32>
    %get3A_6 = arith.constant 0 : index
    %get3A_7 = arith.constant 0 : index
    %get3A_8 = vector.load %arg2[%get3A_6, %get3A_7] : memref<6400x128xf32, #tpu.memory_space<vmem>>, vector<6400x128xf32>
    %get3A_9 = arith.constant 0 : index
    %get3A_10 = arith.constant 0 : index
    %get3A_11 = vector.load %arg5[%get3A_9, %get3A_10] : memref<128x64xf32, #tpu.memory_space<vmem>>, vector<128x64xf32>
    %dot_general3A_12 = arith.constant dense<0.000000e+00> : vector<6400x64xf32>
    %dot_general3A_13 = tpu.matmul %get3A_8, %get3A_11, %dot_general3A_12 {dimension_numbers = #tpu.dot_dimension_numbers<[1], [0], [0], [1], [0, 0, 1, 1], [], []>, transpose_lhs_hint = false} : vector<6400x128xf32>, vector<128x64xf32>, vector<6400x64xf32> -> vector<6400x64xf32>
    %add3A = arith.addf %dot_general3A_5, %dot_general3A_13 : vector<6400x64xf32>
    %tanh3A = math.tanh %add3A : vector<6400x64xf32>
    %get3A_14 = arith.constant 0 : index
    %get3A_15 = arith.constant 0 : index
    %get3A_16 = vector.load %arg6[%get3A_14, %get3A_15] : memref<8x64xf32, #tpu.memory_space<vmem>>, vector<1x64xf32>
    %mul3A = vector.broadcast %get3A_16 : vector<1x64xf32> to vector<6400x64xf32>
    %mul3A_17 = arith.mulf %tanh3A, %mul3A : vector<6400x64xf32>
    %reduce_sum3A = arith.constant dense<0.000000e+00> : vector<6400xf32>
    %reduce_sum3A_18 = vector.multi_reduction <add>, %mul3A_17, %reduce_sum3A [1] : vector<6400x64xf32> to vector<6400xf32>
    %broadcast_in_dim3A = vector.shape_cast %reduce_sum3A_18 : vector<6400xf32> to vector<6400x1xf32>
    %exp3A = math.exp %broadcast_in_dim3A : vector<6400x1xf32>
    %get3A_19 = arith.constant 0 : index
    %get3A_20 = arith.constant 0 : index
    %get3A_21 = vector.load %arg3[%get3A_19, %get3A_20] : memref<6400x128xf32, #tpu.memory_space<vmem>>, vector<6400x128xf32>
    %mul3A_22 = vector.broadcast %exp3A : vector<6400x1xf32> to vector<6400x128xf32>
    %mul3A_23 = arith.mulf %get3A_21, %mul3A_22 : vector<6400x128xf32>
    %swap3A = arith.constant 0 : index
    %swap3A_24 = arith.constant 0 : index
    %swap3A_25 = vector.load %arg7[%swap3A, %swap3A_24] : memref<6400x128xf32, #tpu.memory_space<vmem>>, vector<6400x128xf32>
    tpu.vector_store %arg7[%swap3A, %swap3A_24], %mul3A_23 {strides = array<i32>} : memref<6400x128xf32, #tpu.memory_space<vmem>>, vector<6400x128xf32>,
    %squeeze3A = vector.shape_cast %exp3A : vector<6400x1xf32> to vector<6400xf32>
    %reshape3A = vector.shape_cast %squeeze3A : vector<6400xf32> to vector<1x50x128xf32>
    %swap3A_26 = arith.constant 0 : index
    %swap3A_27 = arith.constant 0 : index
    %swap3A_28 = arith.constant 0 : index
    %swap3A_29 = vector.load %arg8[%swap3A_26, %swap3A_27, %swap3A_28] : memref<1x50x128xf32, #tpu.memory_space<vmem>>, vector<1x50x128xf32>
    tpu.vector_store %arg8[%swap3A_26, %swap3A_27, %swap3A_28], %reshape3A {strides = array<i32>} : memref<1x50x128xf32, #tpu.memory_space<vmem>>, vector<1x50x128xf32>,
    return
  }
  func.func @transform_0(%arg0: i32) -> (i32, i32) {
    %add3A = arith.constant 0 : i32
    %add3A_0 = arith.addi %arg0, %add3A : i32
    %c0_i32 = arith.constant 0 : i32
    %c0_i32_1 = arith.constant 0 : i32
    return %add3A_0, %c0_i32 : i32, i32
  }
  func.func @transform_1(%arg0: i32) -> (i32, i32) {
    %add3A = arith.constant 0 : i32
    %add3A_0 = arith.addi %arg0, %add3A : i32
    %c0_i32 = arith.constant 0 : i32
    %c0_i32_1 = arith.constant 0 : i32
    return %add3A_0, %c0_i32 : i32, i32
  }
  func.func @transform_2(%arg0: i32) -> (i32, i32) {
    %add3A = arith.constant 0 : i32
    %add3A_0 = arith.addi %arg0, %add3A : i32
    %c0_i32 = arith.constant 0 : i32
    %c0_i32_1 = arith.constant 0 : i32
    return %add3A_0, %c0_i32 : i32, i32
  }
  func.func @transform_3(%arg0: i32) -> (i32, i32) {
    %c0_i32 = arith.constant 0 : i32
    %c0_i32_0 = arith.constant 0 : i32
    %c0_i32_1 = arith.constant 0 : i32
    return %c0_i32, %c0_i32_0 : i32, i32
  }
  func.func @transform_4(%arg0: i32) -> (i32, i32) {
    %c0_i32 = arith.constant 0 : i32
    %c0_i32_0 = arith.constant 0 : i32
    %c0_i32_1 = arith.constant 0 : i32
    return %c0_i32, %c0_i32_0 : i32, i32
  }
  func.func @transform_5(%arg0: i32) -> (i32, i32) {
    %c0_i32 = arith.constant 0 : i32
    %c0_i32_0 = arith.constant 0 : i32
    %c0_i32_1 = arith.constant 0 : i32
    return %c0_i32, %c0_i32_0 : i32, i32
  }
  func.func @transform_6(%arg0: i32) -> (i32, i32) {
    %c0_i32 = arith.constant 0 : i32
    %c0_i32_0 = arith.constant 0 : i32
    return %arg0, %c0_i32 : i32, i32
  }
  func.func @transform_7(%arg0: i32) -> (i32, i32, i32) {
    %c0_i32 = arith.constant 0 : i32
    %c0_i32_0 = arith.constant 0 : i32
    %c0_i32_1 = arith.constant 0 : i32
    return %arg0, %c0_i32, %c0_i32_0 : i32, i32, i32
  }
}

module attributes {stable_mosaic.version = 14 : i64} {
  func.func @_tc_combine_body(%arg0: memref<2x10000x128xf32, #tpu.memory_space<vmem>>, %arg1: memref<2x10000xf32, #tpu.memory_space<vmem>>, %arg2: memref<10000x128xf32, #tpu.memory_space<vmem>>) attributes {dimension_semantics = [], scalar_prefetch = 0 : i64, scratch_operands = 0 : i64, tpu.core_type = #tpu.core_type<tc>} {
    %get3A = arith.constant 0 : index
    %get3A_0 = arith.constant 0 : index
    %get3A_1 = arith.constant 0 : index
    %get3A_2 = vector.load %arg0[%get3A, %get3A_0, %get3A_1] : memref<2x10000x128xf32, #tpu.memory_space<vmem>>, vector<1x10000x128xf32>
    %get3A_3 = vector.shape_cast %get3A_2 : vector<1x10000x128xf32> to vector<10000x128xf32>
    %get3A_4 = arith.constant 1 : index
    %get3A_5 = arith.constant 0 : index
    %get3A_6 = arith.constant 0 : index
    %get3A_7 = vector.load %arg0[%get3A_4, %get3A_5, %get3A_6] : memref<2x10000x128xf32, #tpu.memory_space<vmem>>, vector<1x10000x128xf32>
    %get3A_8 = vector.shape_cast %get3A_7 : vector<1x10000x128xf32> to vector<10000x128xf32>
    %add3A = arith.addf %get3A_3, %get3A_8 : vector<10000x128xf32>
    %add3A_9 = arith.constant 0.000000e+00 : f32
    %add3A_10 = vector.broadcast %add3A_9 : f32 to vector<10000x128xf32>
    %add3A_11 = arith.addf %add3A_10, %add3A : vector<10000x128xf32>
    %get3A_12 = arith.constant 0 : index
    %get3A_13 = arith.constant 0 : index
    %get3A_14 = vector.load %arg1[%get3A_12, %get3A_13] : memref<2x10000xf32, #tpu.memory_space<vmem>>, vector<2x10000xf32>
    %reduce_sum3A = arith.constant dense<0.000000e+00> : vector<10000xf32>
    %reduce_sum3A_15 = vector.multi_reduction <add>, %get3A_14, %reduce_sum3A [0] : vector<2x10000xf32> to vector<10000xf32>
    %add3A_16 = arith.constant 0.000000e+00 : f32
    %add3A_17 = vector.broadcast %add3A_16 : f32 to vector<10000xf32>
    %add3A_18 = arith.addf %add3A_17, %reduce_sum3A_15 : vector<10000xf32>
    %broadcast_in_dim3A = vector.shape_cast %add3A_18 : vector<10000xf32> to vector<10000x1xf32>
    %gt3A = arith.constant 0.000000e+00 : f32
    %gt3A_19 = vector.broadcast %gt3A : f32 to vector<10000x1xf32>
    %gt3A_20 = arith.cmpf ogt, %broadcast_in_dim3A, %gt3A_19 : vector<10000x1xf32>
    %div3A = vector.broadcast %broadcast_in_dim3A : vector<10000x1xf32> to vector<10000x128xf32>
    %div3A_21 = arith.divf %add3A_11, %div3A : vector<10000x128xf32>
    %jit3A = arith.constant 0.000000e+00 : f32
    %broadcast_in_dim3A_22 = vector.shape_cast %gt3A_20 : vector<10000x1xi1> to vector<10000x1xi1>
    %broadcast_in_dim3A_23 = vector.broadcast %broadcast_in_dim3A_22 : vector<10000x1xi1> to vector<10000x128xi1>
    %broadcast_in_dim3A_24 = vector.broadcast %jit3A : f32 to vector<10000x128xf32>
    %select_n3A = arith.select %broadcast_in_dim3A_23, %div3A_21, %broadcast_in_dim3A_24 : vector<10000x128xi1>, vector<10000x128xf32>
    %swap3A = arith.constant 0 : index
    %swap3A_25 = arith.constant 0 : index
    %swap3A_26 = vector.load %arg2[%swap3A, %swap3A_25] : memref<10000x128xf32, #tpu.memory_space<vmem>>, vector<10000x128xf32>
    tpu.vector_store %arg2[%swap3A, %swap3A_25], %select_n3A {strides = array<i32>} : memref<10000x128xf32, #tpu.memory_space<vmem>>, vector<10000x128xf32>,
    return
  }
}

</mosaic_0001>

<sc_bundles>
// kernel: kernel.5.cloned.1.call-start
scs
__scs_entry_jumppad:
0x0: {  	(pc) =	sbr.rel $0x88, $3  }
0x1: {  	(tag) =	ssettag $0x0;
	lr =	simm.s32 $0x1  }
0x2: {  	[smem:$0x3F9A] =	sst lr;
	_ =	strace $0xD0000000  }
0x3: {  	_ = 	snop  }
0x4: {  	_ = 	snop  }
0x5: {  	_ = 	snop  }
0x6: {  	_ = 	snop  }
0x7: {  	_ = 	snop  }
__scs_overlays_trampoline_lowered:
0x8: {  	[smem:$0x3FA9] =	sst s0  }
0x9: {  	[smem:$0x3FAA] =	sst s1  }
0xa: {  	[smem:$0x3FAB] =	sst s2  }
0xb: {  	[smem:$0x3FAC] =	sst s3  }
0xc: {  	[smem:$0x3FAD] =	sst s4  }
0xd: {  	[smem:$0x3FAE] =	sst s5  }
0xe: {  	[smem:$0x3FAF] =	sst s6  }
0xf: {  	[smem:$0x3FB0] =	sst s7  }
0x10: {  	[smem:$0x3FB1] =	sst s8  }
0x11: {  	[smem:$0x3FB2] =	sst s9;
	s0 =	simm.s32 @!p0 $0x0  }
0x12: {  	s1 =	sld [smem:$0x3F98];
	s0 =	simm.s32 @p0 $0x1  }
0x13: {  	[smem:$0x3FB3] =	sst s0;
	s0 =	simm.s32 @!p1 $0x0  }
0x14: {  	s2 =	sld [smem:$0x3F97];
	s0 =	simm.s32 @p1 $0x1  }
0x15: {  	[smem:$0x3FB4] =	sst s0;
	s0 =	simm.s32 @!p2 $0x0  }
0x16: {  	s3 =	sld [smem:$0x3FDB];
	s0 =	simm.s32 @p2 $0x1  }
0x17: {  	s4 =	simm.s32 $0x1BF5;
	[smem:$0x3FB6] =	sst s0  }
0x18: {  	s0 =	sld [smem:$0x3F99];
	_ =	swait.ge [sflag:s4], $0x0  }
0x19: {  	s7 =	sld [smem:$0x3F9A]  }
0x1a: {  	s8 =	sadd.s32 $0xFFFFE003, lr  }
0x1b: {  	s9 =	sadd.s32 $0xFFFFFEF7, lr;
	s5 =	simm.s32 $0xFFFFFFFF;
	p2 =	slt.u32 s8, $0xFFFFF086  }
0x1c: {  	p1 =	slt.u32 s9, $0xF7A;
	s5 =	simm.s32 @!p2 $0x0  }
0x1d: {  	s5 =	simm.s32 @p1 $0x1;
	p0 =	seq.s32 s7, s2  }
0x1e: {  	s7 =	smul.u32 @!p0 $0xF7A, s2;
	p2 =	seq.s32 @!p0 s5, $0x0  }
0x1f: {  	s9 =	smul.u32 $0xF7A, s1;
	s8 =	simm.s32 @!p0 $0x1BF5;
	p2 =	por !p2, p0  }
0x20: {  	[sflag:s8] =	ssyncset.s32 @!p0 $0xFFFFF086;
	s6 =	sadd.s32 @!p0 s3, s7;
	s7 =	simm.s32 @!p0 $0x108  }
0x21: {  	s3 =	sadd.s32 s3, s9;
	s6 =	sadd.s32 @!p0 $0x88, s6;
	s7 =	simm.s32 @p2 $0x1082  }
0x22: {  	[simem:s7], [sflag:s8] =	dma.local @!p0 [hbm:s6], $0xF7A  }
0x23: {  	s9 =	sor.u32 $0xD0000000, s2;
	s6 =	simm.s32 $0x108;
	_ =	swait.ge @!p0 [sflag:s8], $0x0  }
0x24: {  	s3 =	sadd.s32 $0x88, s3;
	s6 =	simm.s32 @!p1 $0x1082;
	[sflag:s4] =	ssyncset.s32 $0xFFFFF086  }
0x25: {  	[simem:s6], [sflag:s4] =	dma.local [hbm:s3], $0xF7A  }
0x26: {  	[smem:$0x3F9A] =	sst s1;
	(tag) =	ssettag s2;
	_ =	strace s9  }
0x27: {  	s1 =	sld [smem:$0x3FAA]  }
0x28: {  	s2 =	sld [smem:$0x3FAB]  }
0x29: {  	s4 =	sld [smem:$0x3FAD]  }
0x2a: {  	p0 =	seq.s32 s5, $0x0;
	s5 =	sld [smem:$0x3FAE]  }
0x2b: {  	s6 =	sld [smem:$0x3FAF]  }
0x2c: {  	s7 =	sld [smem:$0x3FB0]  }
0x2d: {  	s3 =	simm.s32 $0x108;
	s8 =	sld [smem:$0x3FB1]  }
0x2e: {  	s3 =	simm.s32 @!p0 $0x1082;
	s9 =	sld [smem:$0x3FB2]  }
0x2f: {  	lr =	sadd.s32 s0, s3;
	s0 =	sld [smem:$0x3FA9]  }
0x30: {  	s3 =	sld [smem:$0x3FAC]  }
0x31: {  	[smem:$0x3FB5] =	sst s10  }
0x32: {  	s10 =	sld [smem:$0x3FB3];
	_ =	sdelay $0x3  }
0x33: {  	p0 =	seq.s32 s10, $0x1;
	s10 =	sld [smem:$0x3FB5];
	_ =	sdelay $0x3  }
0x34: {  	[smem:$0x3FB5] =	sst s10  }
0x35: {  	s10 =	sld [smem:$0x3FB4];
	_ =	sdelay $0x3  }
0x36: {  	p1 =	seq.s32 s10, $0x1;
	s10 =	sld [smem:$0x3FB5];
	_ =	sdelay $0x3  }
0x37: {  	[smem:$0x3FB5] =	sst s10  }
0x38: {  	s10 =	sld [smem:$0x3FB6]  }
0x39: {  	_ = 	snop;
	(pc) =	sbr.ind lr, $3  }
0x3a: {  	_ = 	snop  }
0x3b: {  	_ = 	snop  }
0x3c: {  	p2 =	seq.s32 s10, $0x1;
	s10 =	sld [smem:$0x3FB5]  }
0x3d: {  	_ =	shalt  }
0x3e: {  	_ =	shalt  }
0x3f: {  	_ =	shalt  }
0x40: {  	_ =	shalt  }
0x41: {  	_ =	shalt  }
0x42: {  	_ =	shalt  }
0x43: {  	_ =	shalt  }
0x44: {  	_ =	shalt  }
0x45: {  	_ =	shalt  }
0x46: {  	_ =	shalt  }
0x47: {  	_ =	shalt  }
0x48: {  	_ =	shalt  }
0x49: {  	_ =	shalt  }
0x4a: {  	_ =	shalt  }
0x4b: {  	_ =	shalt  }
0x4c: {  	_ =	shalt  }
0x4d: {  	_ =	shalt  }
0x4e: {  	_ =	shalt  }
0x4f: {  	_ =	shalt  }
0x50: {  	_ =	shalt  }
0x51: {  	_ =	shalt  }
0x52: {  	_ =	shalt  }
0x53: {  	_ =	shalt  }
0x54: {  	_ =	shalt  }
0x55: {  	_ =	shalt  }
0x56: {  	_ =	shalt  }
0x57: {  	_ =	shalt  }
0x58: {  	_ =	shalt  }
0x59: {  	_ =	shalt  }
0x5a: {  	_ =	shalt  }
0x5b: {  	_ =	shalt  }
0x5c: {  	_ =	shalt  }
0x5d: {  	_ =	shalt  }
0x5e: {  	_ =	shalt  }
0x5f: {  	_ =	shalt  }
0x60: {  	_ =	shalt  }
0x61: {  	_ =	shalt  }
0x62: {  	_ =	shalt  }
0x63: {  	_ =	shalt  }
0x64: {  	_ =	shalt  }
0x65: {  	_ =	shalt  }
0x66: {  	_ =	shalt  }
0x67: {  	_ =	shalt  }
0x68: {  	_ =	shalt  }
0x69: {  	_ =	shalt  }
0x6a: {  	_ =	shalt  }
0x6b: {  	_ =	shalt  }
0x6c: {  	_ =	shalt  }
0x6d: {  	_ =	shalt  }
0x6e: {  	_ =	shalt  }
0x6f: {  	_ =	shalt  }
0x70: {  	_ =	shalt  }
0x71: {  	_ =	shalt  }
0x72: {  	_ =	shalt  }
0x73: {  	_ =	shalt  }
0x74: {  	_ =	shalt  }
0x75: {  	_ =	shalt  }
0x76: {  	_ =	shalt  }
0x77: {  	_ =	shalt  }
0x78: {  	_ =	shalt  }
0x79: {  	_ =	shalt  }
0x7a: {  	_ =	shalt  }
0x7b: {  	_ =	shalt  }
0x7c: {  	_ =	shalt  }
0x7d: {  	_ =	shalt  }
0x7e: {  	_ =	shalt  }
0x7f: {  	_ =	shalt  }
0x80: {  	_ =	shalt  }
0x81: {  	_ =	shalt  }
0x82: {  	_ =	shalt  }
0x83: {  	_ =	shalt  }
0x84: {  	_ =	shalt  }
0x85: {  	_ =	shalt  }
0x86: {  	_ =	shalt  }
0x87: {  	_ =	shalt  }
.Lfunc_end0:
.L_simem_size_0:
called_computation_lowered:
.L_overlay_start_0:
0x88: {  	s2 =	sld [smem:$0x3FD9]  }
0x89: {  	s3 =	sld [smem:$0x3FFE];
	_ =	sdelay $0x1  }
0x8a: {  	s1 =	srdreg.scid  }
0x8b: {  	s0 =	sand.u32 $0x1, s1  }
0x8c: {  	s17 =	sshll.u32 s0, $0xA;
	s2 =	sadd.s32 s3, s2  }
0x8d: {  	s2 =	sadd.s32 s2, s17  }
0x8e: {  	[smem:$0x3FC1] =	sst s2  }
0x8f: {  	_ = 	snop  }
0x90: {  	s2 =	sld [smem:$0x3FC3]  }
0x91: {  	s18 =	sld [smem:$0x3FD0];
	(tm) =	ssettm $0x1  }
0x92: {  	s4 =	sld [smem:$0x3FFB];
	_ =	sdelay $0x3  }
0x93: {  	_ =	strace s4  }
0x94: {  	s4 =	sld [smem:$0x3FFC];
	_ =	sdelay $0x3  }
0x95: {  	_ =	strace s4  }
0x96: {  	s4 =	sld [smem:$0x3FFD];
	_ =	sdelay $0x3  }
0x97: {  	_ =	strace s4  }
0x98: {  	_ =	strace $0x8FFFFFFF  }
0x99: {  	s19 =	sld [smem:$0x3FDB];
	_ =	sdelay $0x1  }
0x9a: {  	s5 =	simm.s32 $_scs_section_size  }
0x9b: {  	s6 =	simm.s32 $_size__tile_overlayer_lowered;
	s7 =	simm.s32 $_tile_overlayer_lowered  }
0x9c: {  	s22 =	simm.s32 $0x1BFF;
	s21 =	sshll.u32 s7, $0x1;
	s4 =	sadd.s32 s5, s19  }
0x9d: {  	s8 =	simm.s32 $0x0;
	s20 =	sshll.u32 s6, $0x1;
	s6 =	sadd.s32 s21, s4  }
0x9e: {  	[timem:s8], [sflag:s22] =	dma.local [hbm:s6], s20  }
0x9f: {  	_ =	swait.ge [sflag:s22], s20  }
0xa0: {  	s5 =	ssub.s32 $0x0, s20;
	[sflag:s22] =	ssyncset.done $0x0  }
0xa1: {  	[sflag:s22] =	ssyncadd.s32 s5;
	_ =	sdelay $0x1  }
0xa2: {  	s23 =	simm.s32 $0x1B8B  }
0xa3: {  	_ =	swait.ge [sflag:s23], $0x1  }
0xa4: {  	[sflag:s23] =	ssyncset.done $0x0  }
0xa5: {  	s25 =	simm.s32 $0x1B8E;
	s24 =	sld [smem:$0x3FFE];
	[sflag:s23] =	ssyncadd.s32 $0xFFFFFFFF  }
0xa6: {  	s26 =	simm.s32 $execute0_lowered;
	[smem:$0x3FD2] =	sst s25  }
0xa7: {  	s6 =	sshll.u32 s26, $0x1;
	_ =	strace $0x80000046;
	[dreg:$0x1] =	wrdreg $0xFFFFFFFF  }
0xa8: {  	s28 =	simm.s32 $_size_execute0_lowered;
	s4 =	sadd.s32 s4, s6;
	[dreg:$0x0] =	wrdreg $0x0  }
0xa9: {  	s6 =	sshll.u32 s28, $0x1;
	[dreg:$0x2] =	wrdreg s4  }
0xaa: {  	[dreg:$0x3] =	wrdreg s6  }
0xab: {  	[dreg:$0x4] =	wrdreg $0xC0  }
0xac: {  	_ =	task [dreg:s8], $0x5FFFF  }
0xad: {  	[dreg:$0x1] =	wrdreg $0xFFFFFFFF  }
0xae: {  	[dreg:$0x0] =	wrdreg $0x60  }
0xaf: {  	[dreg:$0x2] =	wrdreg s24  }
0xb0: {  	[dreg:$0x3] =	wrdreg s18  }
0xb1: {  	[dreg:$0x4] =	wrdreg s2  }
0xb2: {  	[dreg:$0x5] =	wrdreg $0xAA800  }
0xb3: {  	[dreg:$0x6] =	wrdreg $0x1E3000  }
0xb4: {  	[dreg:$0x7] =	wrdreg $0x9  }
0xb5: {  	_ =	task.clear_ibuf [dreg:s8], $0x8FFFF;
	_ =	strace $0x90000046  }
0xb6: {  	s29 =	simm.s32 $0x9;
	_ =	strace $0x80000048  }
0xb7: {  	_ =	swait.ge [sflag:s29], $0x1  }
0xb8: {  	[sflag:s29] =	ssyncadd.s32 $0xFFFFFFFF  }
0xb9: {  	_ =	strace $0x90000048  }
0xba: {  	_ =	sfence  }
0xbb: {  	s30 =	sld [smem:$0x0];
	_ =	sdelay $0x2  }
0xbc: {  	s31 =	sshll.u32 s1, $0xD;
	s1 =	sshrl.u32 s1, $0x2  }
0xbd: {  	s3 =	sand.u32 $0x4000, s31;
	s1 =	sadd.s32 s1, s30  }
0xbe: {  	s0 =	sor.u32 s3, s0;
	s1 =	sshll.u32 s1, $0x11  }
0xbf: {  	s0 =	sor.u32 s1, s0  }
0xc0: {  	s0 =	sadd.s32 $0x8F2B, s0  }
0xc1: {  	[sflag:s0] =	ssyncadd.remote.s32 $0x1  }
0xc2: {  	_ =	sfence.sel $0xFFFF  }
0xc3: {  	[dreg:$0x0] =	wrdreg $0xFFFFFFFF;
	(pc) =	sbr.abs _section_cstart, $3  }
0xc4: {  	[dreg:$0x1] =	wrdreg $0xFFFFFFFF  }
0xc5: {  	_ =	task.clear_ibuf [dreg:s8], $0x2FFFF;
	_ =	strace $0x9FFFFFFF  }
0xc6: {  	(tm) =	ssettm $0x7FFFFFFF  }
0xc7: {  	_ =	shalt  }
tec
execute0_lowered:
.L_overlay_start_1:
0x0: {  	(tag) =	ssettag $0x1  }
0x1: {  	s0 =	rddreg [dreg:$0x0]  }
0x2: {  	s15 =	rddreg [dreg:$0x1]  }
0x3: {  	s16 =	rddreg [dreg:$0x2]  }
0x4: {  	s1 =	rddreg [dreg:$0x3]  }
0x5: {  	s2 =	rddreg [dreg:$0x4];
	s3 =	simm.s32 $0x0  }
0x6: {  	s5 =	srdreg.scid;
	s18 =	stileid.u32;
	s31 =	simm.s32 $0x0  }
0x7: {  	[smem:$0x7FF] =	sst s3;
	s10 =	sadd.s32 $0xC00, s0;
	s4 =	sadd.s32 $0x4E2C00, s0  }
0x8: {  	s11 =	sadd.s32 $0x4E3E00, s0;
	s17 =	sand.u32 $0x1, s5;
	s9 =	smul.u32 $0x4E000, s18  }
0x9: {  	s13 =	smul.u32 $0x13800, s18;
	p0 =	sne.s32 s18, $0xF;
	p2 =	seq.s32 s18, $0x0  }
0xa: {  	p1 =	sne.s32 s18, $0x0;
	_ =	strace $0x80000047;
	s5 =	smul.u32 $0x500, s17  }
0xb: {  	s6 =	ssub.s32 $0x2, s17;
	s8 =	sshll.u32 s17, $0x4;
	s12 =	smul.u32 $0x138800, s17  }
0xc: {  	p3 =	sne.s32 @!p2 s18, $0xF;
	s7 =	sshrl.u32 s6, $0x1;
	s19 =	sor.u32 s18, s8  }
0xd: {  	s8 =	sshrl.u32 s9, $0x2;
	s9 =	sshll.u32 s18, $0x6;
	p3 =	por p3, p2  }
0xe: {  	s0 =	sadd.s32 s5, s0;
	s14 =	ssub.s32 s6, s7;
	s5 =	sadd.s32 s8, s1  }
0xf: {  	s6 =	sor.u32 $0x1C05, s9;
	s25 =	sadd.s32 s13, s12;
	s7 =	sadd.s32 $0x138000, s1  }
0x10: {  	s26 =	sshll.u32 s19, $0xB;
	s8 =	sshll.u32 s17, $0xF;
	s12 =	sshrl.u32 s12, $0x3  }
0x11: {  	s9 =	sshll.u32 s18, $0xB;
	s20 =	sadd.s32 $0x3400, s5;
	s21 =	sadd.s32 $0x6800, s5  }
0x12: {  	s22 =	sadd.s32 $0x9C00, s5;
	s23 =	sadd.s32 $0xD000, s5;
	s24 =	sadd.s32 $0x10400, s5  }
0x13: {  	s13 =	sshrl.u32 s25, $0x3;
	s29 =	sadd.s32 s10, s26;
	s10 =	sadd.s32 s8, s10  }
0x14: {  	s25 =	sadd.s32 s11, s12;
	s12 =	sshll.u32 s19, $0x4;
	s14 =	smax.u32 s14, $0x1  }
0x15: {  	[dreg:$0x6] =	wrdreg s29;
	s30 =	sadd.s32 s11, s13;
	s26 =	sadd.s32 s9, s10  }
0x16: {  	s13 =	sadd.s32 s15, s12;
	s11 =	sadd.s32 s16, s12;
	s12 =	sadd.s32 $0x4E3400, s0  }
0x17: {  	s29 =	sshll.u32 s17, $0x8;
	s20 =	sshrl.u32 s20, $0x3;
	s21 =	sshrl.u32 s21, $0x3  }
0x18: {  	s22 =	sshrl.u32 s22, $0x3;
	s23 =	sshrl.u32 s23, $0x3;
	[dreg:$0x7] =	wrdreg s30  }
0x19: {  	s24 =	sshrl.u32 s24, $0x3;
	[dreg:$0x8] =	wrdreg s13;
	s13 =	sadd.s32 $0x27000, s25  }
0x1a: {  	v0 =	vlaneseq.u32;
	s16 =	sadd.s32 s29, s16;
	s0 =	sadd.s32 s29, s15;
	s30 =	sshll.u32 s18, $0x4  }
0x1b: {  	v1 =	vor.u32 $0x10, v0;
	s28 =	sadd.s32 $0x20000, s26;
	s26 =	sor.u32 $0x40, s19;
	s19 =	simm.s32 $0x5  }
0x1c: {  	v2 =	vor.u32 $0x20, v0;
	v3 =	vor.u32 $0x30, v0;
	v4 =	vor.u32 $0x40, v0;
	s25 =	simm.s32 $0x8200;
	s16 =	sadd.s32 s30, s16;
	s17 =	sadd.s32 s30, s0  }
.LBB2_1:
0x1d: {  	s0 =	sshrl.u32 s5, $0x3  }
0x1e: {  	[spmem:s0], [sflag:s6] =	dma.local [hbm:s4], $0x680  }
0x1f: {  	_ =	swait.ge [sflag:s19], $0x680  }
0x20: {  	[sflag:s19] =	ssyncset.done $0x0  }
0x21: {  	[sflag:s19] =	ssyncadd.s32 $0xFFFFF980  }
0x22: {  	[spmem:s20], [sflag:s6] =	dma.local [hbm:s4], $0x680  }
0x23: {  	_ =	swait.ge [sflag:s19], $0x680  }
0x24: {  	[sflag:s19] =	ssyncset.done $0x0  }
0x25: {  	[sflag:s19] =	ssyncadd.s32 $0xFFFFF980  }
0x26: {  	[spmem:s21], [sflag:s6] =	dma.local [hbm:s4], $0x680  }
0x27: {  	_ =	swait.ge [sflag:s19], $0x680  }
0x28: {  	[sflag:s19] =	ssyncset.done $0x0  }
0x29: {  	[sflag:s19] =	ssyncadd.s32 $0xFFFFF980  }
0x2a: {  	[spmem:s22], [sflag:s6] =	dma.local [hbm:s4], $0x680  }
0x2b: {  	_ =	swait.ge [sflag:s19], $0x680  }
0x2c: {  	[sflag:s19] =	ssyncset.done $0x0  }
0x2d: {  	[sflag:s19] =	ssyncadd.s32 $0xFFFFF980  }
0x2e: {  	[spmem:s23], [sflag:s6] =	dma.local [hbm:s4], $0x680  }
0x2f: {  	_ =	swait.ge [sflag:s19], $0x680  }
0x30: {  	[sflag:s19] =	ssyncset.done $0x0  }
0x31: {  	[sflag:s19] =	ssyncadd.s32 $0xFFFFF980  }
0x32: {  	[spmem:s24], [sflag:s6] =	dma.local [hbm:s4], $0x680  }
0x33: {  	_ =	swait.ge [sflag:s19], $0x680  }
0x34: {  	[sflag:s19] =	ssyncset.done $0x0  }
0x35: {  	s15 =	sshrl.u32 @!p0 s7, $0x3;
	[sflag:s19] =	ssyncadd.s32 $0xFFFFF980  }
0x36: {  	[spmem:s15], [sflag:s6] =	dma.local @!p0 [hbm:s4], $0x100  }
0x37: {  	s15 =	simm.s32 @!p0 $0x5  }
0x38: {  	_ =	swait.ge @!p0 [sflag:s15], $0x100  }
0x39: {  	[sflag:s15] =	ssyncset.done @!p0 $0x0  }
0x3a: {  	[sflag:s15] =	ssyncadd.s32 @!p0 $0xFFFFFF00  }
0x3b: {  	[tilespmem:s25], [sflag:$0x5] =	stream.linear.gather [hbm4b:s4+s3], $0x2800, $0x38;
	[tilespmem:$0x1E580] =	vst v63  }
0x3c: {  	_ =	swait.ge [sflag:s19], $0x2800  }
0x3d: {  	[sflag:s19] =	ssyncset.done $0x0  }
0x3e: {  	[sflag:s19] =	ssyncadd.s32 $0xFFFFD800  }
0x3f: {  	[tilespmem:$0xAA00] =	vst v0  }
0x40: {  	[tilespmem:$0xAA10] =	vst v1  }
0x41: {  	[tilespmem:$0xAA20] =	vst v2  }
0x42: {  	[tilespmem:$0xAA30] =	vst v3  }
0x43: {  	s15 =	sshrl.u32 @!p1 s2, $0x3;
	[tilespmem:$0xAA40] =	vst v4  }
0x44: {  	[spmem:s15], [sflag:s6] =	dma.local @!p1 [hbm:s4], $0x500  }
0x45: {  	s15 =	simm.s32 @!p1 $0x5  }
0x46: {  	_ =	swait.ge @!p1 [sflag:s15], $0x500  }
0x47: {  	[sflag:s15] =	ssyncset.done @!p1 $0x0  }
0x48: {  	[sflag:s15] =	ssyncadd.s32 @!p1 $0xFFFFFB00  }
0x49: {  	[bflag:$0x0] =	sbarrier.arrive $0xFFFF  }
0x4a: {  	s8 =	rddreg [dreg:$0x6]  }
0x4b: {  	[tilespmem:s3], [sflag:$0x1] =	stream.linear.gather [hbm4b:s8+s3], $0x4000, $0x38;
	[tilespmem:$0x1E580] =	vst v63  }
0x4c: {  	s9 =	simm.s32 $0x8000;
	s30 =	simm.s32 $0x8100;
	s18 =	rddreg [dreg:$0x8]  }
0x4d: {  	[tilespmem:s9], [sflag:$0x1] =	stream.linear.gather [hbm4b:s18+s3], $0x80, $0x38;
	[tilespmem:$0x1E580] =	vst v63  }
0x4e: {  	s29 =	simm.s32 $0x0;
	s15 =	smov.u32 s28;
	s18 =	smov.u32 s26  }
0x4f: {  	[tilespmem:s30], [sflag:$0x1] =	stream.linear.gather [hbm4b:s11+s3], $0x80, $0x38;
	[tilespmem:$0x1E580] =	vst v63  }
.LBB2_2:
0x50: {  	s30 =	sadd.s32 $0xFFFFFFC0, s18  }
0x51: {  	p4 =	sgt.u32 s30, $0x9C3  }
0x52: {  	s30 =	simm.s32 @!p4 $0x1  }
0x53: {  	_ =	swait.ge @!p4 [sflag:s30], $0x4000  }
0x54: {  	[sflag:s30] =	ssyncset.done @!p4 $0x0  }
0x55: {  	[sflag:s30] =	ssyncadd.s32 @!p4 $0xFFFFC000  }
0x56: {  	_ =	swait.ge @!p4 [sflag:s30], $0x80  }
0x57: {  	[sflag:s30] =	ssyncset.done @!p4 $0x0  }
0x58: {  	[sflag:s30] =	ssyncadd.s32 @!p4 $0xFFFFFF80  }
0x59: {  	_ =	swait.ge @!p4 [sflag:s30], $0x80  }
0x5a: {  	[sflag:s30] =	ssyncset.done @!p4 $0x0  }
0x5b: {  	[sflag:s30] =	ssyncadd.s32 @!p4 $0xFFFFFF80  }
0x5c: {  	v5 =	vld @!p4 [tilespmem:$0x8100];
	_ =	sdelay $0x2  }
0x5d: {  	v6 =	vld @!p4 [tilespmem:$0x8000];
	_ =	sdelay $0x3  }
0x5e: {  	s30 =	simm.s32 @!p4 $0x8200  }
0x5f: {  	[tilespmem:v5+s30+$0x0] =	vst.idx.add.f32.msk @!p4 $0xffff, v6  }
0x60: {  	v5 =	vld @!p4 [tilespmem:$0x8110];
	_ =	sdelay $0x2  }
0x61: {  	v6 =	vld @!p4 [tilespmem:$0x8010];
	_ =	sdelay $0x4  }
0x62: {  	[tilespmem:v5+s30+$0x0] =	vst.idx.add.f32.msk @!p4 $0xffff, v6  }
0x63: {  	v5 =	vld @!p4 [tilespmem:$0x8120];
	_ =	sdelay $0x2  }
0x64: {  	v6 =	vld @!p4 [tilespmem:$0x8020];
	_ =	sdelay $0x4  }
0x65: {  	[tilespmem:v5+s30+$0x0] =	vst.idx.add.f32.msk @!p4 $0xffff, v6  }
0x66: {  	v5 =	vld @!p4 [tilespmem:$0x8130];
	_ =	sdelay $0x2  }
0x67: {  	v6 =	vld @!p4 [tilespmem:$0x8030];
	_ =	sdelay $0x4  }
0x68: {  	[tilespmem:v5+s30+$0x0] =	vst.idx.add.f32.msk @!p4 $0xffff, v6  }
0x69: {  	v5 =	vld @!p4 [tilespmem:$0x8140];
	_ =	sdelay $0x2  }
0x6a: {  	v6 =	vld @!p4 [tilespmem:$0x8040];
	_ =	sdelay $0x4  }
0x6b: {  	[tilespmem:v5+s30+$0x0] =	vst.idx.add.f32.msk @!p4 $0xffff, v6  }
0x6c: {  	v5 =	vld @!p4 [tilespmem:$0x8150];
	_ =	sdelay $0x2  }
0x6d: {  	v6 =	vld @!p4 [tilespmem:$0x8050];
	_ =	sdelay $0x4  }
0x6e: {  	[tilespmem:v5+s30+$0x0] =	vst.idx.add.f32.msk @!p4 $0xffff, v6  }
0x6f: {  	v5 =	vld @!p4 [tilespmem:$0x8160];
	_ =	sdelay $0x2  }
0x70: {  	v6 =	vld @!p4 [tilespmem:$0x8060];
	_ =	sdelay $0x4  }
0x71: {  	[tilespmem:v5+s30+$0x0] =	vst.idx.add.f32.msk @!p4 $0xffff, v6  }
0x72: {  	v5 =	vld @!p4 [tilespmem:$0x8170];
	_ =	sdelay $0x2  }
0x73: {  	v6 =	vld @!p4 [tilespmem:$0x8070];
	_ =	sdelay $0x3  }
0x74: {  	p5 =	seq.s32 s29, $0x0  }
0x75: {  	s8 =	simm.s32 @!p4 $0x8100;
	s9 =	simm.s32 @!p4 $0x0;
	[tilespmem:v5+s30+$0x0] =	vst.idx.add.f32.msk @!p4 $0xffff, v6;
	s30 =	simm.s32 @!p4 $0x80  }
0x76: {  	[spmem:s1] =	stream.indirect.scatter.add.f32 @!p4 [tilespmem:s9], [sflag:$0x3], $0x80, s8, s30, $0xb8;
	[tilespmem:$0x1E580] =	vst v63  }
0x77: {  	s8 =	simm.s32 @!p5 $0x4  }
0x78: {  	_ =	swait.ge @!p5 [sflag:s8], $0x4000  }
0x79: {  	s30 =	sadd.s32 $0xFFFFFFE0, s18;
	[sflag:s8] =	ssyncset.done @!p5 $0x0  }
0x7a: {  	[sflag:s8] =	ssyncadd.s32 @!p5 $0xFFFFC000;
	p5 =	sgt.u32 s30, $0x9C3  }
0x7b: {  	s8 =	sadd.s32 @!p5 $0xFFFF0000, s15;
	s9 =	simm.s32 @!p5 $0x0;
	s30 =	simm.s32 @!p5 $0x4000  }
0x7c: {  	[tilespmem:s30], [sflag:$0x2] =	stream.linear.gather @!p5 [hbm4b:s8+s9], $0x4000, $0x38;
	[tilespmem:$0x1E580] =	vst v63  }
0x7d: {  	s8 =	sadd.s32 @!p5 s29, s17  }
0x7e: {  	s10 =	simm.s32 @!p5 $0x8080;
	s8 =	sadd.s32 @!p5 $0x200, s8  }
0x7f: {  	[tilespmem:s10], [sflag:$0x2] =	stream.linear.gather @!p5 [hbm4b:s8+s9], $0x80, $0x38;
	[tilespmem:$0x1E580] =	vst v63  }
0x80: {  	s8 =	sadd.s32 @!p5 s29, s16  }
0x81: {  	s10 =	simm.s32 @!p5 $0x8180;
	s8 =	sadd.s32 @!p5 $0x200, s8  }
0x82: {  	[tilespmem:s10], [sflag:$0x2] =	stream.linear.gather @!p5 [hbm4b:s8+s9], $0x80, $0x38;
	[tilespmem:$0x1E580] =	vst v63  }
0x83: {  	s8 =	simm.s32 @!p5 $0x2  }
0x84: {  	_ =	swait.ge @!p5 [sflag:s8], $0x4000  }
0x85: {  	[sflag:s8] =	ssyncset.done @!p5 $0x0  }
0x86: {  	[sflag:s8] =	ssyncadd.s32 @!p5 $0xFFFFC000  }
0x87: {  	_ =	swait.ge @!p5 [sflag:s8], $0x80  }
0x88: {  	[sflag:s8] =	ssyncset.done @!p5 $0x0  }
0x89: {  	[sflag:s8] =	ssyncadd.s32 @!p5 $0xFFFFFF80  }
0x8a: {  	_ =	swait.ge @!p5 [sflag:s8], $0x80  }
0x8b: {  	[sflag:s8] =	ssyncset.done @!p5 $0x0  }
0x8c: {  	[sflag:s8] =	ssyncadd.s32 @!p5 $0xFFFFFF80  }
0x8d: {  	v5 =	vld @!p5 [tilespmem:$0x8180];
	_ =	sdelay $0x2  }
0x8e: {  	v6 =	vld @!p5 [tilespmem:$0x8080];
	_ =	sdelay $0x3  }
0x8f: {  	s8 =	simm.s32 @!p5 $0x8200  }
0x90: {  	[tilespmem:v5+s8+$0x0] =	vst.idx.add.f32.msk @!p5 $0xffff, v6  }
0x91: {  	v5 =	vld @!p5 [tilespmem:$0x8190];
	_ =	sdelay $0x2  }
0x92: {  	v6 =	vld @!p5 [tilespmem:$0x8090];
	_ =	sdelay $0x4  }
0x93: {  	[tilespmem:v5+s8+$0x0] =	vst.idx.add.f32.msk @!p5 $0xffff, v6  }
0x94: {  	v5 =	vld @!p5 [tilespmem:$0x81A0];
	_ =	sdelay $0x2  }
0x95: {  	v6 =	vld @!p5 [tilespmem:$0x80A0];
	_ =	sdelay $0x4  }
0x96: {  	[tilespmem:v5+s8+$0x0] =	vst.idx.add.f32.msk @!p5 $0xffff, v6  }
0x97: {  	v5 =	vld @!p5 [tilespmem:$0x81B0];
	_ =	sdelay $0x2  }
0x98: {  	v6 =	vld @!p5 [tilespmem:$0x80B0];
	_ =	sdelay $0x4  }
0x99: {  	[tilespmem:v5+s8+$0x0] =	vst.idx.add.f32.msk @!p5 $0xffff, v6  }
0x9a: {  	v5 =	vld @!p5 [tilespmem:$0x81C0];
	_ =	sdelay $0x2  }
0x9b: {  	v6 =	vld @!p5 [tilespmem:$0x80C0];
	_ =	sdelay $0x4  }
0x9c: {  	[tilespmem:v5+s8+$0x0] =	vst.idx.add.f32.msk @!p5 $0xffff, v6  }
0x9d: {  	v5 =	vld @!p5 [tilespmem:$0x81D0];
	_ =	sdelay $0x2  }
0x9e: {  	v6 =	vld @!p5 [tilespmem:$0x80D0];
	_ =	sdelay $0x4  }
0x9f: {  	[tilespmem:v5+s8+$0x0] =	vst.idx.add.f32.msk @!p5 $0xffff, v6  }
0xa0: {  	v5 =	vld @!p5 [tilespmem:$0x81E0];
	_ =	sdelay $0x2  }
0xa1: {  	v6 =	vld @!p5 [tilespmem:$0x80E0];
	_ =	sdelay $0x4  }
0xa2: {  	[tilespmem:v5+s8+$0x0] =	vst.idx.add.f32.msk @!p5 $0xffff, v6  }
0xa3: {  	v5 =	vld @!p5 [tilespmem:$0x81F0];
	_ =	sdelay $0x2  }
0xa4: {  	v6 =	vld @!p5 [tilespmem:$0x80F0];
	_ =	sdelay $0x4  }
0xa5: {  	[tilespmem:v5+s8+$0x0] =	vst.idx.add.f32.msk @!p5 $0xffff, v6;
	s8 =	simm.s32 @!p5 $0x80  }
0xa6: {  	[spmem:s1] =	stream.indirect.scatter.add.f32 @!p5 [tilespmem:s30], [sflag:$0x4], $0x80, s10, s8, $0xb8;
	[tilespmem:$0x1E580] =	vst v63  }
0xa7: {  	s8 =	simm.s32 @!p4 $0x3  }
0xa8: {  	_ =	swait.ge @!p4 [sflag:s8], $0x4000  }
0xa9: {  	p5 =	sgt.u32 s18, $0x9C3;
	[sflag:s8] =	ssyncset.done @!p4 $0x0  }
0xaa: {  	s9 =	sadd.s32 @!p5 s29, s17;
	[sflag:s8] =	ssyncadd.s32 @!p4 $0xFFFFC000;
	s8 =	simm.s32 @!p5 $0x0  }
0xab: {  	[tilespmem:s8], [sflag:$0x1] =	stream.linear.gather @!p5 [hbm4b:s15+s8], $0x4000, $0x38;
	[tilespmem:$0x1E580] =	vst v63  }
0xac: {  	s10 =	simm.s32 @!p5 $0x8000;
	s9 =	sadd.s32 @!p5 $0x400, s9  }
0xad: {  	[tilespmem:s10], [sflag:$0x1] =	stream.linear.gather @!p5 [hbm4b:s9+s8], $0x80, $0x38;
	[tilespmem:$0x1E580] =	vst v63  }
0xae: {  	s9 =	sadd.s32 @!p5 s29, s16;
	s29 =	sadd.s32 $0x400, s29  }
0xaf: {  	p4 =	sne.s32 s29, $0xA000  }
.Ltmp0:
0xb0: {  	_ = 	snop;
	(pc) =	sbr.rel @p4 .LBB2_2-.Ltmp0, $4  }
0xb1: {  	_ = 	snop  }
0xb2: {  	s18 =	sadd.s32 $0x40, s18  }
0xb3: {  	s15 =	sadd.s32 $0x20000, s15;
	s10 =	simm.s32 @!p5 $0x8100;
	s9 =	sadd.s32 @!p5 $0x400, s9  }
0xb4: {  	[tilespmem:s10], [sflag:$0x1] =	stream.linear.gather @!p5 [hbm4b:s9+s8], $0x80, $0x38;
	[tilespmem:$0x1E580] =	vst v63  }
0xb5: {  	s8 =	simm.s32 $0x50;
	s9 =	simm.s32 $0xAA00  }
0xb6: {  	[spmem:s2] =	stream.indirect.scatter.add.f32 [tilespmem:s25], [sflag:$0x5], $0x80, s9, s8, $0xb8;
	[tilespmem:$0x1E580] =	vst v63  }
0xb7: {  	_ =	swait.ge [sflag:s19], $0x2800  }
0xb8: {  	[sflag:s19] =	ssyncset.done $0x0  }
0xb9: {  	[sflag:s19] =	ssyncadd.s32 $0xFFFFD800  }
0xba: {  	[bflag:$0x0] =	sbarrier.arrive $0xFFFF  }
0xbb: {  	s30 =	rddreg [dreg:$0x7]  }
0xbc: {  	[hbm:s30], [sflag:s6] =	dma.local [spmem:s0], $0x2700  }
0xbd: {  	_ =	swait.ge [sflag:s19], $0x2700  }
0xbe: {  	[sflag:s19] =	ssyncset.done $0x0  }
0xbf: {  	s0 =	sshrl.u32 @p2 s2, $0x3;
	[sflag:s19] =	ssyncadd.s32 $0xFFFFD900  }
0xc0: {  	[hbm:s12], [sflag:s6] =	dma.local @p2 [spmem:s0], $0x500  }
0xc1: {  	s0 =	simm.s32 @p2 $0x5  }
0xc2: {  	_ =	swait.ge @p2 [sflag:s0], $0x500  }
0xc3: {  	s31 =	sadd.s32 $0x1, s31;
	[sflag:s0] =	ssyncset.done @p2 $0x0  }
0xc4: {  	p4 =	sne.s32 s31, s14;
	[sflag:s0] =	ssyncadd.s32 @p2 $0xFFFFFB00;
	s0 =	sshrl.u32 @!p3 s7, $0x3  }
0xc5: {  	[hbm:s13], [sflag:s6] =	dma.local @!p3 [spmem:s0], $0x100  }
.Ltmp1:
0xc6: {  	_ = 	snop;
	(pc) =	sbr.rel @p4 .LBB2_1-.Ltmp1, $4  }
0xc7: {  	s0 =	simm.s32 @!p3 $0x5  }
0xc8: {  	_ =	swait.ge @!p3 [sflag:s0], $0x100  }
0xc9: {  	[sflag:s0] =	ssyncset.done @!p3 $0x0  }
0xca: {  	[sflag:s0] =	ssyncadd.s32 @!p3 $0xFFFFFF00  }
0xcb: {  	_ =	sfence.sel $0x180000  }
0xcc: {  	[bflag:$0x0] =	sbarrier.arrive $0xFFFF  }
0xcd: {  	_ =	strace $0x90000047  }
0xce: {  	[bflag:$0x2] =	sbarrier.arrive $0xFFFF  }
0xcf: {  	s0 =	rddreg [dreg:$0x5]  }
0xd0: {  	s0 =	sadd.s32 @!p1 $0x100000, s0  }
0xd1: {  	[sflag:s0] =	ssyncadd.tile.s32 @!p1 $0x1;
	_ =	shalt  }
.Lfunc_end2:
_tile_overlayer_lowered:
.L_overlay_start_2:
0xd2: {  	(tag) =	ssettag $0x2  }
0xd3: {  	s0 =	rddreg [dreg:$0x0];
	s2 =	stileid.u32  }
0xd4: {  	s1 =	rddreg [dreg:$0x1];
	p0 =	sne.s32 s2, $0x0  }
0xd5: {  	s3 =	rddreg [dreg:$0x2];
	[bflag:$0x3] =	sbarrier.arrive $0xFFFF;
	s2 =	simm.s32 @!p0 $0x1C05  }
0xd6: {  	[timem:s3], [sflag:s2] =	dma.local @!p0 [hbm:s0], s1  }
0xd7: {  	s0 =	simm.s32 @!p0 $0x5  }
0xd8: {  	_ =	swait.ge @!p0 [sflag:s0], s1  }
0xd9: {  	s1 =	ssub.s32 @!p0 $0x0, s1;
	[sflag:s0] =	ssyncset.done @!p0 $0x0  }
0xda: {  	[sflag:s0] =	ssyncadd.s32 @!p0 s1  }
0xdb: {  	[bflag:$0x3] =	sbarrier.arrive $0xFFFF  }
0xdc: {  	_ =	shalt  }

</sc_bundles>
